<compile_context>
chip_gen: v7x
topology: tpu7x:2x2x1
jax: 0.10.2.dev20260603
libtpu: 0.0.44.dev20260713+nightly
codegen_flags: <defaults>
</compile_context>

<pallas_src>
import functools

import jax
import jax.numpy as jnp
from jax import lax
from jax.experimental import pallas as pl
from jax.experimental.pallas import tpu as pltpu
from jax.experimental.pallas import tpu_sc as plsc

N = 10000
E = 320000
IN_DIM = 128
HD = 128

NC = 2
NS = 16
NP = 10240
CHUNK = 128
EROWS = 2560
RPW = EROWS // (NC * NS)
GRP = 16
STRIPE = NP // NS
BLK = 1024
GRID = NP // BLK



def _pre_body(x_ref, ws_ref, wd_ref, a1_ref, a2_ref,
              h1_ref, h2_ref, l1s_ref, l1d_ref, l2s_ref, l2d_ref):
    x = x_ref[...]
    h1 = jnp.dot(x, ws_ref[...], preferred_element_type=jnp.float32)
    h2 = jnp.dot(x, wd_ref[...], preferred_element_type=jnp.float32)
    h1_ref[...] = h1
    h2_ref[...] = h2
    a1 = jnp.dot(h1, a1_ref[...], preferred_element_type=jnp.float32)
    a2 = jnp.dot(h2, a2_ref[...], preferred_element_type=jnp.float32)
    l1s_ref[...] = a1[:, :16]
    l1d_ref[...] = a1[:, 16:]
    l2s_ref[...] = a2[:, :16]
    l2d_ref[...] = a2[:, 16:]


def _pre_call(xp, w_src, w_dst, a1, a2):
    f32 = jnp.float32
    return pl.pallas_call(
        _pre_body,
        grid=(GRID,),
        in_specs=[
            pl.BlockSpec((BLK, IN_DIM), lambda i: (i, 0)),
            pl.BlockSpec((IN_DIM, HD), lambda i: (0, 0)),
            pl.BlockSpec((IN_DIM, HD), lambda i: (0, 0)),
            pl.BlockSpec((IN_DIM, 32), lambda i: (0, 0)),
            pl.BlockSpec((IN_DIM, 32), lambda i: (0, 0)),
        ],
        out_specs=[
            pl.BlockSpec((BLK, HD), lambda i: (i, 0)),
            pl.BlockSpec((BLK, HD), lambda i: (i, 0)),
            pl.BlockSpec((BLK, 16), lambda i: (i, 0)),
            pl.BlockSpec((BLK, 16), lambda i: (i, 0)),
            pl.BlockSpec((BLK, 16), lambda i: (i, 0)),
            pl.BlockSpec((BLK, 16), lambda i: (i, 0)),
        ],
        out_shape=[
            jax.ShapeDtypeStruct((NP, HD), f32),
            jax.ShapeDtypeStruct((NP, HD), f32),
            jax.ShapeDtypeStruct((NP, 16), f32),
            jax.ShapeDtypeStruct((NP, 16), f32),
            jax.ShapeDtypeStruct((NP, 16), f32),
            jax.ShapeDtypeStruct((NP, 16), f32),
        ],
    )(xp, w_src, w_dst, a1, a2)



def _sc_body(h_hbm, ls_hbm, ld_hbm, src_hbm, dst_hbm,
             out_hbm, den_hbm,
             out_acc, den_acc, src_v, dst_v, rows, asb, adb, wb,
             sem1, sem2):
    c = lax.axis_index("c")
    s = lax.axis_index("s")
    wid = c * NS + s
    zero16 = jnp.zeros((16,), jnp.float32)

    def zbody(e, carry):
        wb[e, :] = zero16
        for g in range(8):
            rows[e, pl.ds(16 * g, 16)] = zero16
        return carry

    lax.fori_loop(0, CHUNK, zbody, 0)
    base = s * STRIPE
    for k in range(STRIPE // CHUNK):
        pltpu.sync_copy(rows, out_acc.at[pl.ds(base + k * CHUNK, CHUNK)])
        pltpu.sync_copy(wb, den_acc.at[pl.ds(base + k * CHUNK, CHUNK)])

    plsc.subcore_barrier()

    def group_body(gg, carry):
        gbase = wid * RPW + gg * GRP
        pltpu.sync_copy(src_hbm.at[pl.ds(gbase, GRP)], src_v)
        pltpu.sync_copy(dst_hbm.at[pl.ds(gbase, GRP)], dst_v)

        def chunk_body(j, carry1):
            isrc = src_v.at[j]
            idst = dst_v.at[j]
            cp_rows = pltpu.async_copy(h_hbm.at[isrc], rows, sem1)
            cp_s = pltpu.async_copy(ls_hbm.at[isrc], asb, sem2)
            cp_d = pltpu.async_copy(ld_hbm.at[idst], adb, sem2)
            cp_s.wait()
            cp_d.wait()

            def wbody(e, carry2):
                av = asb[e, :] + adb[e, :]
                wb[e, :] = jnp.exp(jnp.maximum(av, 0.2 * av))
                return carry2

            lax.fori_loop(0, CHUNK, wbody, 0)
            cp_rows.wait()

            def ebody(e, carry2):
                w = wb[e, :]
                for g in range(8):
                    sl = pl.ds(16 * g, 16)
                    rows[e, sl] = rows[e, sl] * w[g]
                return carry2

            lax.fori_loop(0, CHUNK, ebody, 0)
            pltpu.sync_copy(rows, out_acc.at[idst], add=True)
            pltpu.sync_copy(wb, den_acc.at[idst], add=True)
            return carry1

        lax.fori_loop(0, GRP, chunk_body, 0)
        return carry

    lax.fori_loop(0, RPW // GRP, group_body, 0)
    plsc.subcore_barrier()

    pltpu.sync_copy(out_acc.at[pl.ds(base, STRIPE)],
                    out_hbm.at[c, pl.ds(base, STRIPE)])
    pltpu.sync_copy(den_acc.at[pl.ds(base, STRIPE)],
                    den_hbm.at[c, pl.ds(base, STRIPE)])


@functools.cache
def _sc_layer_call():
    f32 = jnp.float32
    mesh = plsc.VectorSubcoreMesh(
        core_axis_name="c", subcore_axis_name="s",
        num_cores=NC, num_subcores=NS)
    return pl.kernel(
        _sc_body,
        out_type=(
            jax.ShapeDtypeStruct((NC, NP, HD), f32),
            jax.ShapeDtypeStruct((NC, NP, 16), f32),
        ),
        mesh=mesh,
        compiler_params=pltpu.CompilerParams(use_tc_tiling_on_sc=False),
        scratch_types=[
            pltpu.VMEM_SHARED((NP, HD), f32),
            pltpu.VMEM_SHARED((NP, 16), f32),
            pltpu.VMEM((GRP, CHUNK), jnp.int32),
            pltpu.VMEM((GRP, CHUNK), jnp.int32),
            pltpu.VMEM((CHUNK, HD), f32),
            pltpu.VMEM((CHUNK, 16), f32),
            pltpu.VMEM((CHUNK, 16), f32),
            pltpu.VMEM((CHUNK, 16), f32),
            pltpu.SemaphoreType.DMA,
            pltpu.SemaphoreType.DMA,
        ],
    )



def _post_body(o1_ref, d1_ref, o2_ref, d2_ref, r_ref, y_ref):
    r = r_ref[...]
    o1 = o1_ref[0] + o1_ref[1]
    o2 = o2_ref[0] + o2_ref[1]
    d1 = jnp.dot(d1_ref[0] + d1_ref[1], r,
                 preferred_element_type=jnp.float32) + 1e-9
    d2 = jnp.dot(d2_ref[0] + d2_ref[1], r,
                 preferred_element_type=jnp.float32) + 1e-9
    t = o1 / d1 + o2 / d2
    y_ref[...] = jnp.where(t > 0.0, t, jnp.exp(jnp.minimum(t, 0.0)) - 1.0)


def _post_call(o1, d1, o2, d2, rmat):
    return pl.pallas_call(
        _post_body,
        grid=(GRID,),
        in_specs=[
            pl.BlockSpec((NC, BLK, HD), lambda i: (0, i, 0)),
            pl.BlockSpec((NC, BLK, 16), lambda i: (0, i, 0)),
            pl.BlockSpec((NC, BLK, HD), lambda i: (0, i, 0)),
            pl.BlockSpec((NC, BLK, 16), lambda i: (0, i, 0)),
            pl.BlockSpec((16, HD), lambda i: (0, 0)),
        ],
        out_specs=pl.BlockSpec((BLK, HD), lambda i: (i, 0)),
        out_shape=jax.ShapeDtypeStruct((NP, HD), jnp.float32),
    )(o1, d1, o2, d2, rmat)



def _alpha_mat(a_s, a_d):
    am = jnp.zeros((IN_DIM, 32), jnp.float32)
    rr = jnp.arange(IN_DIM)
    hh = rr // 16
    am = am.at[rr, hh].set(a_s.astype(jnp.float32).reshape(-1))
    am = am.at[rr, 16 + hh].set(a_d.astype(jnp.float32).reshape(-1))
    return am


def _rep_mat():
    jj = jnp.arange(HD)
    return jnp.zeros((16, HD), jnp.float32).at[jj // 16, jj].set(1.0)


def _pad_edges(v):
    npad = EROWS * CHUNK - E
    pad = N + jnp.arange(npad, dtype=jnp.int32) % (NP - N)
    return jnp.concatenate([v.astype(jnp.int32), pad]).reshape(EROWS, CHUNK)


def kernel(x, edge_index, W_src, a_src_s, a_src_d, W_dst, a_dst_s, a_dst_d):
    src = _pad_edges(edge_index[0])
    dst = _pad_edges(edge_index[1])
    xp = jnp.pad(x, ((0, NP - N), (0, 0)))
    a1 = _alpha_mat(a_src_s, a_src_d)
    a2 = _alpha_mat(a_dst_s, a_dst_d)
    h1, h2, l1s, l1d, l2s, l2d = _pre_call(xp, W_src, W_dst, a1, a2)
    sc = _sc_layer_call()
    out1, den1 = sc(h1, l1s, l1d, src, dst)
    out2, den2 = sc(h2, l2s, l2d, dst, src)
    y = _post_call(out1, den1, out2, den2, _rep_mat())
    return y[:N]

# --- scband reference (transcript-rebuilt; emitter-appended) ---
"""Pipeline reference for scband-base-gat-45337674776791 (READ-ONLY COPY).

The authoritative reference and input builder live on the scoring server;
editing this copy changes nothing except your own understanding.
"""

import jax, jax.numpy as jnp
import numpy as np

N_NODES = 10000
N_EDGES = 320000
IN_DIM = 128
OUT_DIM = 16
NUM_HEADS = 8


def setup_inputs(seed: int = 0) -> dict:
    key = jax.random.key(seed)
    ks = jax.random.split(key, 8)
    x = jax.random.normal(ks[0], (N_NODES, IN_DIM), dtype=jnp.float32)
    edge_index = jax.random.randint(ks[1], (2, N_EDGES), 0, N_NODES, dtype=jnp.int64 if jax.config.jax_enable_x64 else jnp.int32).astype(jnp.int32)
    s = 1.0 / np.sqrt(IN_DIM)
    W_src = jax.random.normal(ks[2], (IN_DIM, NUM_HEADS * OUT_DIM), dtype=jnp.float32) * s
    a_src_s = jax.random.normal(ks[3], (NUM_HEADS, OUT_DIM), dtype=jnp.float32) * 0.1
    a_src_d = jax.random.normal(ks[4], (NUM_HEADS, OUT_DIM), dtype=jnp.float32) * 0.1
    W_dst = jax.random.normal(ks[5], (IN_DIM, NUM_HEADS * OUT_DIM), dtype=jnp.float32) * s
    a_dst_s = jax.random.normal(ks[6], (NUM_HEADS, OUT_DIM), dtype=jnp.float32) * 0.1
    a_dst_d = jax.random.normal(ks[7], (NUM_HEADS, OUT_DIM), dtype=jnp.float32) * 0.1
    return {"x": x, "edge_index": edge_index, "W_src": W_src, "a_src_s": a_src_s, "a_src_d": a_src_d, "W_dst": W_dst, "a_dst_s": a_dst_s, "a_dst_d": a_dst_d}


def _gat_layer(x, src, dst, W, a_s, a_d):
    n = x.shape[0]
    H, D = a_s.shape
    h = (x @ W).reshape(n, H, D)
    alpha_s = jnp.sum(h * a_s[None, :, :], axis=-1)  # [N, H]
    alpha_d = jnp.sum(h * a_d[None, :, :], axis=-1)  # [N, H]
    e = jax.nn.leaky_relu(alpha_s[src] + alpha_d[dst], negative_slope=0.2)  # [E, H]
    e_max = jax.ops.segment_max(e, dst, num_segments=n)
    e_max = jnp.where(jnp.isfinite(e_max), e_max, 0.0)
    ex = jnp.exp(e - e_max[dst])
    denom = jax.ops.segment_sum(ex, dst, num_segments=n) + 1e-9
    attn = ex / denom[dst]  # [E, H] edge softmax over incoming edges of dst
    msg = h[src] * attn[:, :, None]  # [E, H, D]
    out = jax.ops.segment_sum(msg, dst, num_segments=n)  # [N, H, D]
    return out.reshape(n, H * D)


def reference(x, edge_index, W_src, a_src_s, a_src_d, W_dst, a_dst_s, a_dst_d):
    src = edge_index[0]
    dst = edge_index[1]
    # layer_src: aggregate along edge direction src->dst
    h_src = _gat_layer(x, src, dst, W_src, a_src_s, a_src_d)
    # layer_dst: aggregate along reversed edges dst->src
    h_dst = _gat_layer(x, dst, src, W_dst, a_dst_s, a_dst_d)
    return jax.nn.elu(h_src + h_dst)

if __name__ == "__main__":
    import jax
    _d = setup_inputs()
    print(jax.jit(kernel)(*tuple(_d.values())))

</pallas_src>

<mosaic_0001>
#map = affine_map<(d0, d1) -> (0, 0)>
#map1 = affine_map<(d0, d1) -> (0, 0, 0)>
module attributes {stable_mosaic.version = 14 : i64} {
  func.func @_sc_body(%arg0: i32, %arg1: i32, %arg2: memref<10240x128xf32, #tpu.memory_space<hbm>>, %arg3: memref<10240x16xf32, #tpu.memory_space<hbm>>, %arg4: memref<10240x16xf32, #tpu.memory_space<hbm>>, %arg5: memref<2560x128xi32, #tpu.memory_space<hbm>>, %arg6: memref<2560x128xi32, #tpu.memory_space<hbm>>, %arg7: memref<2x10240x128xf32, #tpu.memory_space<hbm>>, %arg8: memref<2x10240x16xf32, #tpu.memory_space<hbm>>, %arg9: memref<10240x128xf32, #tpu.memory_space<vmem_shared>>, %arg10: memref<10240x16xf32, #tpu.memory_space<vmem_shared>>, %arg11: memref<16x128xi32, #tpu.memory_space<vmem>>, %arg12: memref<16x128xi32, #tpu.memory_space<vmem>>, %arg13: memref<128x128xf32, #tpu.memory_space<vmem>>, %arg14: memref<128x16xf32, #tpu.memory_space<vmem>>, %arg15: memref<128x16xf32, #tpu.memory_space<vmem>>, %arg16: memref<128x16xf32, #tpu.memory_space<vmem>>, %arg17: memref<!tpu.dma_semaphore, #tpu.memory_space<semaphore_mem>>, %arg18: memref<!tpu.dma_semaphore, #tpu.memory_space<semaphore_mem>>) attributes {dimension_semantics = [#tpu.dimension_semantics<core_parallel>, #tpu.dimension_semantics<subcore_parallel>], iteration_bounds = array<i64: 2, 16>, scalar_prefetch = 0 : i64, scratch_operands = 10 : i64, tpu.core_type = #tpu.core_type<sc_vector_subcore>, window_params = [{transform_indices = #map}, {transform_indices = #map}, {transform_indices = #map}, {transform_indices = #map}, {transform_indices = #map}, {transform_indices = #map1}, {transform_indices = #map1}]} {
    %mul3A = arith.constant 16 : i32
    %mul3A_0 = arith.muli %arg0, %mul3A : i32
    %add3A = arith.addi %mul3A_0, %arg1 : i32
    %broadcast_in_dim3A = arith.constant 0.000000e+00 : f32
    %broadcast_in_dim3A_1 = vector.broadcast %broadcast_in_dim3A : f32 to vector<16xf32>
    %scan3A = arith.constant 0 : i32
    %scan3A_2 = arith.constant 0 : i32
    %scan3A_3 = arith.constant 128 : i32
    %scan3A_4 = arith.addi %scan3A_2, %scan3A_3 : i32
    %scan3A_5 = arith.constant 1 : i32
    scf.for %scan3A_36 = %scan3A_2 to %scan3A_4 step %scan3A_5  : i32 {
      %swap3A = arith.index_cast %scan3A_36 : i32 to index
      %swap3A_37 = arith.constant 0 : index
      %swap3A_38 = tpu.vector_load %arg16[%swap3A, %swap3A_37] {strides = array<i32>} : memref<128x16xf32, #tpu.memory_space<vmem>>, vector<1x16xf32>,
      %swap3A_39 = vector.shape_cast %swap3A_38 : vector<1x16xf32> to vector<16xf32>
      %swap3A_40 = vector.shape_cast %broadcast_in_dim3A_1 : vector<16xf32> to vector<1x16xf32>
      tpu.vector_store %arg16[%swap3A, %swap3A_37], %swap3A_40 {strides = array<i32>} : memref<128x16xf32, #tpu.memory_space<vmem>>, vector<1x16xf32>,
      %swap3A_41 = arith.index_cast %scan3A_36 : i32 to index
      %swap3A_42 = arith.constant 0 : index
      %swap3A_43 = tpu.vector_load %arg13[%swap3A_41, %swap3A_42] {strides = array<i32>} : memref<128x128xf32, #tpu.memory_space<vmem>>, vector<1x16xf32>,
      %swap3A_44 = vector.shape_cast %swap3A_43 : vector<1x16xf32> to vector<16xf32>
      %swap3A_45 = vector.shape_cast %broadcast_in_dim3A_1 : vector<16xf32> to vector<1x16xf32>
      tpu.vector_store %arg13[%swap3A_41, %swap3A_42], %swap3A_45 {strides = array<i32>} : memref<128x128xf32, #tpu.memory_space<vmem>>, vector<1x16xf32>,
      %swap3A_46 = arith.index_cast %scan3A_36 : i32 to index
      %swap3A_47 = arith.constant 16 : index
      %swap3A_48 = tpu.vector_load %arg13[%swap3A_46, %swap3A_47] {strides = array<i32>} : memref<128x128xf32, #tpu.memory_space<vmem>>, vector<1x16xf32>,
      %swap3A_49 = vector.shape_cast %swap3A_48 : vector<1x16xf32> to vector<16xf32>
      %swap3A_50 = vector.shape_cast %broadcast_in_dim3A_1 : vector<16xf32> to vector<1x16xf32>
      tpu.vector_store %arg13[%swap3A_46, %swap3A_47], %swap3A_50 {strides = array<i32>} : memref<128x128xf32, #tpu.memory_space<vmem>>, vector<1x16xf32>,
      %swap3A_51 = arith.index_cast %scan3A_36 : i32 to index
      %swap3A_52 = arith.constant 32 : index
      %swap3A_53 = tpu.vector_load %arg13[%swap3A_51, %swap3A_52] {strides = array<i32>} : memref<128x128xf32, #tpu.memory_space<vmem>>, vector<1x16xf32>,
      %swap3A_54 = vector.shape_cast %swap3A_53 : vector<1x16xf32> to vector<16xf32>
      %swap3A_55 = vector.shape_cast %broadcast_in_dim3A_1 : vector<16xf32> to vector<1x16xf32>
      tpu.vector_store %arg13[%swap3A_51, %swap3A_52], %swap3A_55 {strides = array<i32>} : memref<128x128xf32, #tpu.memory_space<vmem>>, vector<1x16xf32>,
      %swap3A_56 = arith.index_cast %scan3A_36 : i32 to index
      %swap3A_57 = arith.constant 48 : index
      %swap3A_58 = tpu.vector_load %arg13[%swap3A_56, %swap3A_57] {strides = array<i32>} : memref<128x128xf32, #tpu.memory_space<vmem>>, vector<1x16xf32>,
      %swap3A_59 = vector.shape_cast %swap3A_58 : vector<1x16xf32> to vector<16xf32>
      %swap3A_60 = vector.shape_cast %broadcast_in_dim3A_1 : vector<16xf32> to vector<1x16xf32>
      tpu.vector_store %arg13[%swap3A_56, %swap3A_57], %swap3A_60 {strides = array<i32>} : memref<128x128xf32, #tpu.memory_space<vmem>>, vector<1x16xf32>,
      %swap3A_61 = arith.index_cast %scan3A_36 : i32 to index
      %swap3A_62 = arith.constant 64 : index
      %swap3A_63 = tpu.vector_load %arg13[%swap3A_61, %swap3A_62] {strides = array<i32>} : memref<128x128xf32, #tpu.memory_space<vmem>>, vector<1x16xf32>,
      %swap3A_64 = vector.shape_cast %swap3A_63 : vector<1x16xf32> to vector<16xf32>
      %swap3A_65 = vector.shape_cast %broadcast_in_dim3A_1 : vector<16xf32> to vector<1x16xf32>
      tpu.vector_store %arg13[%swap3A_61, %swap3A_62], %swap3A_65 {strides = array<i32>} : memref<128x128xf32, #tpu.memory_space<vmem>>, vector<1x16xf32>,
      %swap3A_66 = arith.index_cast %scan3A_36 : i32 to index
      %swap3A_67 = arith.constant 80 : index
      %swap3A_68 = tpu.vector_load %arg13[%swap3A_66, %swap3A_67] {strides = array<i32>} : memref<128x128xf32, #tpu.memory_space<vmem>>, vector<1x16xf32>,
      %swap3A_69 = vector.shape_cast %swap3A_68 : vector<1x16xf32> to vector<16xf32>
      %swap3A_70 = vector.shape_cast %broadcast_in_dim3A_1 : vector<16xf32> to vector<1x16xf32>
      tpu.vector_store %arg13[%swap3A_66, %swap3A_67], %swap3A_70 {strides = array<i32>} : memref<128x128xf32, #tpu.memory_space<vmem>>, vector<1x16xf32>,
      %swap3A_71 = arith.index_cast %scan3A_36 : i32 to index
      %swap3A_72 = arith.constant 96 : index
      %swap3A_73 = tpu.vector_load %arg13[%swap3A_71, %swap3A_72] {strides = array<i32>} : memref<128x128xf32, #tpu.memory_space<vmem>>, vector<1x16xf32>,
      %swap3A_74 = vector.shape_cast %swap3A_73 : vector<1x16xf32> to vector<16xf32>
      %swap3A_75 = vector.shape_cast %broadcast_in_dim3A_1 : vector<16xf32> to vector<1x16xf32>
      tpu.vector_store %arg13[%swap3A_71, %swap3A_72], %swap3A_75 {strides = array<i32>} : memref<128x128xf32, #tpu.memory_space<vmem>>, vector<1x16xf32>,
      %swap3A_76 = arith.index_cast %scan3A_36 : i32 to index
      %swap3A_77 = arith.constant 112 : index
      %swap3A_78 = tpu.vector_load %arg13[%swap3A_76, %swap3A_77] {strides = array<i32>} : memref<128x128xf32, #tpu.memory_space<vmem>>, vector<1x16xf32>,
      %swap3A_79 = vector.shape_cast %swap3A_78 : vector<1x16xf32> to vector<16xf32>
      %swap3A_80 = vector.shape_cast %broadcast_in_dim3A_1 : vector<16xf32> to vector<1x16xf32>
      tpu.vector_store %arg13[%swap3A_76, %swap3A_77], %swap3A_80 {strides = array<i32>} : memref<128x128xf32, #tpu.memory_space<vmem>>, vector<1x16xf32>,
    }
    %scan3A_6 = arith.constant 128 : i32
    %mul3A_7 = arith.constant 640 : i32
    %mul3A_8 = arith.muli %arg1, %mul3A_7 : i32
    %add3A_9 = arith.constant 0 : i32
    %add3A_10 = arith.addi %mul3A_8, %add3A_9 : i32
    "tpu.region"() ({
      %run_scoped3A = tpu.sem_alloc : memref<!tpu.dma_semaphore, #tpu.memory_space<semaphore_mem>>
      %dma_start3A = arith.constant 0 : i32
      %dma_start3A_36 = tpu.memref_slice %arg9[%add3A_10, %dma_start3A] : memref<10240x128xf32, #tpu.memory_space<vmem_shared>> -> memref<128x128xf32, #tpu.memory_space<vmem_shared>>
      %dma_start3A_37 = arith.constant 0 : i32
      %dma_start3A_38 = tpu.memref_slice %arg9[%add3A_10, %dma_start3A_37] : memref<10240x128xf32, #tpu.memory_space<vmem_shared>> -> memref<128x128xf32, #tpu.memory_space<vmem_shared>>
      tpu.enqueue_dma source(%arg13 : memref<128x128xf32, #tpu.memory_space<vmem>>) target(%dma_start3A_38 : memref<128x128xf32, #tpu.memory_space<vmem_shared>>) target_semaphore(%run_scoped3A : memref<!tpu.dma_semaphore, #tpu.memory_space<semaphore_mem>>)
      %dma_wait3A = arith.constant 0 : i32
      %dma_wait3A_39 = tpu.memref_slice %arg9[%add3A_10, %dma_wait3A] : memref<10240x128xf32, #tpu.memory_space<vmem_shared>> -> memref<128x128xf32, #tpu.memory_space<vmem_shared>>
      %dma_wait3A_40 = arith.constant 0 : i32
      %dma_wait3A_41 = tpu.memref_slice %arg9[%add3A_10, %dma_wait3A_40] : memref<10240x128xf32, #tpu.memory_space<vmem_shared>> -> memref<128x128xf32, #tpu.memory_space<vmem_shared>>
      tpu.wait_dma2 semaphore(%run_scoped3A : memref<!tpu.dma_semaphore, #tpu.memory_space<semaphore_mem>>) src(%arg13 : memref<128x128xf32, #tpu.memory_space<vmem>>) dst(%dma_wait3A_41 : memref<128x128xf32, #tpu.memory_space<vmem_shared>>)
      tpu.yield
    }) : () -> ()
    %add3A_11 = arith.constant 0 : i32
    %add3A_12 = arith.addi %mul3A_8, %add3A_11 : i32
    "tpu.region"() ({
      %run_scoped3A = tpu.sem_alloc : memref<!tpu.dma_semaphore, #tpu.memory_space<semaphore_mem>>
      %dma_start3A = arith.constant 0 : i32
      %dma_start3A_36 = tpu.memref_slice %arg10[%add3A_12, %dma_start3A] : memref<10240x16xf32, #tpu.memory_space<vmem_shared>> -> memref<128x16xf32, #tpu.memory_space<vmem_shared>>
      %dma_start3A_37 = arith.constant 0 : i32
      %dma_start3A_38 = tpu.memref_slice %arg10[%add3A_12, %dma_start3A_37] : memref<10240x16xf32, #tpu.memory_space<vmem_shared>> -> memref<128x16xf32, #tpu.memory_space<vmem_shared>>
      tpu.enqueue_dma source(%arg16 : memref<128x16xf32, #tpu.memory_space<vmem>>) target(%dma_start3A_38 : memref<128x16xf32, #tpu.memory_space<vmem_shared>>) target_semaphore(%run_scoped3A : memref<!tpu.dma_semaphore, #tpu.memory_space<semaphore_mem>>)
      %dma_wait3A = arith.constant 0 : i32
      %dma_wait3A_39 = tpu.memref_slice %arg10[%add3A_12, %dma_wait3A] : memref<10240x16xf32, #tpu.memory_space<vmem_shared>> -> memref<128x16xf32, #tpu.memory_space<vmem_shared>>
      %dma_wait3A_40 = arith.constant 0 : i32
      %dma_wait3A_41 = tpu.memref_slice %arg10[%add3A_12, %dma_wait3A_40] : memref<10240x16xf32, #tpu.memory_space<vmem_shared>> -> memref<128x16xf32, #tpu.memory_space<vmem_shared>>
      tpu.wait_dma2 semaphore(%run_scoped3A : memref<!tpu.dma_semaphore, #tpu.memory_space<semaphore_mem>>) src(%arg16 : memref<128x16xf32, #tpu.memory_space<vmem>>) dst(%dma_wait3A_41 : memref<128x16xf32, #tpu.memory_space<vmem_shared>>)
      tpu.yield
    }) : () -> ()
    %add3A_13 = arith.constant 128 : i32
    %add3A_14 = arith.addi %mul3A_8, %add3A_13 : i32
    "tpu.region"() ({
      %run_scoped3A = tpu.sem_alloc : memref<!tpu.dma_semaphore, #tpu.memory_space<semaphore_mem>>
      %dma_start3A = arith.constant 0 : i32
      %dma_start3A_36 = tpu.memref_slice %arg9[%add3A_14, %dma_start3A] : memref<10240x128xf32, #tpu.memory_space<vmem_shared>> -> memref<128x128xf32, #tpu.memory_space<vmem_shared>>
      %dma_start3A_37 = arith.constant 0 : i32
      %dma_start3A_38 = tpu.memref_slice %arg9[%add3A_14, %dma_start3A_37] : memref<10240x128xf32, #tpu.memory_space<vmem_shared>> -> memref<128x128xf32, #tpu.memory_space<vmem_shared>>
      tpu.enqueue_dma source(%arg13 : memref<128x128xf32, #tpu.memory_space<vmem>>) target(%dma_start3A_38 : memref<128x128xf32, #tpu.memory_space<vmem_shared>>) target_semaphore(%run_scoped3A : memref<!tpu.dma_semaphore, #tpu.memory_space<semaphore_mem>>)
      %dma_wait3A = arith.constant 0 : i32
      %dma_wait3A_39 = tpu.memref_slice %arg9[%add3A_14, %dma_wait3A] : memref<10240x128xf32, #tpu.memory_space<vmem_shared>> -> memref<128x128xf32, #tpu.memory_space<vmem_shared>>
      %dma_wait3A_40 = arith.constant 0 : i32
      %dma_wait3A_41 = tpu.memref_slice %arg9[%add3A_14, %dma_wait3A_40] : memref<10240x128xf32, #tpu.memory_space<vmem_shared>> -> memref<128x128xf32, #tpu.memory_space<vmem_shared>>
      tpu.wait_dma2 semaphore(%run_scoped3A : memref<!tpu.dma_semaphore, #tpu.memory_space<semaphore_mem>>) src(%arg13 : memref<128x128xf32, #tpu.memory_space<vmem>>) dst(%dma_wait3A_41 : memref<128x128xf32, #tpu.memory_space<vmem_shared>>)
      tpu.yield
    }) : () -> ()
    %add3A_15 = arith.constant 128 : i32
    %add3A_16 = arith.addi %mul3A_8, %add3A_15 : i32
    "tpu.region"() ({
      %run_scoped3A = tpu.sem_alloc : memref<!tpu.dma_semaphore, #tpu.memory_space<semaphore_mem>>
      %dma_start3A = arith.constant 0 : i32
      %dma_start3A_36 = tpu.memref_slice %arg10[%add3A_16, %dma_start3A] : memref<10240x16xf32, #tpu.memory_space<vmem_shared>> -> memref<128x16xf32, #tpu.memory_space<vmem_shared>>
      %dma_start3A_37 = arith.constant 0 : i32
      %dma_start3A_38 = tpu.memref_slice %arg10[%add3A_16, %dma_start3A_37] : memref<10240x16xf32, #tpu.memory_space<vmem_shared>> -> memref<128x16xf32, #tpu.memory_space<vmem_shared>>
      tpu.enqueue_dma source(%arg16 : memref<128x16xf32, #tpu.memory_space<vmem>>) target(%dma_start3A_38 : memref<128x16xf32, #tpu.memory_space<vmem_shared>>) target_semaphore(%run_scoped3A : memref<!tpu.dma_semaphore, #tpu.memory_space<semaphore_mem>>)
      %dma_wait3A = arith.constant 0 : i32
      %dma_wait3A_39 = tpu.memref_slice %arg10[%add3A_16, %dma_wait3A] : memref<10240x16xf32, #tpu.memory_space<vmem_shared>> -> memref<128x16xf32, #tpu.memory_space<vmem_shared>>
      %dma_wait3A_40 = arith.constant 0 : i32
      %dma_wait3A_41 = tpu.memref_slice %arg10[%add3A_16, %dma_wait3A_40] : memref<10240x16xf32, #tpu.memory_space<vmem_shared>> -> memref<128x16xf32, #tpu.memory_space<vmem_shared>>
      tpu.wait_dma2 semaphore(%run_scoped3A : memref<!tpu.dma_semaphore, #tpu.memory_space<semaphore_mem>>) src(%arg16 : memref<128x16xf32, #tpu.memory_space<vmem>>) dst(%dma_wait3A_41 : memref<128x16xf32, #tpu.memory_space<vmem_shared>>)
      tpu.yield
    }) : () -> ()
    %add3A_17 = arith.constant 256 : i32
    %add3A_18 = arith.addi %mul3A_8, %add3A_17 : i32
    "tpu.region"() ({
      %run_scoped3A = tpu.sem_alloc : memref<!tpu.dma_semaphore, #tpu.memory_space<semaphore_mem>>
      %dma_start3A = arith.constant 0 : i32
      %dma_start3A_36 = tpu.memref_slice %arg9[%add3A_18, %dma_start3A] : memref<10240x128xf32, #tpu.memory_space<vmem_shared>> -> memref<128x128xf32, #tpu.memory_space<vmem_shared>>
      %dma_start3A_37 = arith.constant 0 : i32
      %dma_start3A_38 = tpu.memref_slice %arg9[%add3A_18, %dma_start3A_37] : memref<10240x128xf32, #tpu.memory_space<vmem_shared>> -> memref<128x128xf32, #tpu.memory_space<vmem_shared>>
      tpu.enqueue_dma source(%arg13 : memref<128x128xf32, #tpu.memory_space<vmem>>) target(%dma_start3A_38 : memref<128x128xf32, #tpu.memory_space<vmem_shared>>) target_semaphore(%run_scoped3A : memref<!tpu.dma_semaphore, #tpu.memory_space<semaphore_mem>>)
      %dma_wait3A = arith.constant 0 : i32
      %dma_wait3A_39 = tpu.memref_slice %arg9[%add3A_18, %dma_wait3A] : memref<10240x128xf32, #tpu.memory_space<vmem_shared>> -> memref<128x128xf32, #tpu.memory_space<vmem_shared>>
      %dma_wait3A_40 = arith.constant 0 : i32
      %dma_wait3A_41 = tpu.memref_slice %arg9[%add3A_18, %dma_wait3A_40] : memref<10240x128xf32, #tpu.memory_space<vmem_shared>> -> memref<128x128xf32, #tpu.memory_space<vmem_shared>>
      tpu.wait_dma2 semaphore(%run_scoped3A : memref<!tpu.dma_semaphore, #tpu.memory_space<semaphore_mem>>) src(%arg13 : memref<128x128xf32, #tpu.memory_space<vmem>>) dst(%dma_wait3A_41 : memref<128x128xf32, #tpu.memory_space<vmem_shared>>)
      tpu.yield
    }) : () -> ()
    %add3A_19 = arith.constant 256 : i32
    %add3A_20 = arith.addi %mul3A_8, %add3A_19 : i32
    "tpu.region"() ({
      %run_scoped3A = tpu.sem_alloc : memref<!tpu.dma_semaphore, #tpu.memory_space<semaphore_mem>>
      %dma_start3A = arith.constant 0 : i32
      %dma_start3A_36 = tpu.memref_slice %arg10[%add3A_20, %dma_start3A] : memref<10240x16xf32, #tpu.memory_space<vmem_shared>> -> memref<128x16xf32, #tpu.memory_space<vmem_shared>>
      %dma_start3A_37 = arith.constant 0 : i32
      %dma_start3A_38 = tpu.memref_slice %arg10[%add3A_20, %dma_start3A_37] : memref<10240x16xf32, #tpu.memory_space<vmem_shared>> -> memref<128x16xf32, #tpu.memory_space<vmem_shared>>
      tpu.enqueue_dma source(%arg16 : memref<128x16xf32, #tpu.memory_space<vmem>>) target(%dma_start3A_38 : memref<128x16xf32, #tpu.memory_space<vmem_shared>>) target_semaphore(%run_scoped3A : memref<!tpu.dma_semaphore, #tpu.memory_space<semaphore_mem>>)
      %dma_wait3A = arith.constant 0 : i32
      %dma_wait3A_39 = tpu.memref_slice %arg10[%add3A_20, %dma_wait3A] : memref<10240x16xf32, #tpu.memory_space<vmem_shared>> -> memref<128x16xf32, #tpu.memory_space<vmem_shared>>
      %dma_wait3A_40 = arith.constant 0 : i32
      %dma_wait3A_41 = tpu.memref_slice %arg10[%add3A_20, %dma_wait3A_40] : memref<10240x16xf32, #tpu.memory_space<vmem_shared>> -> memref<128x16xf32, #tpu.memory_space<vmem_shared>>
      tpu.wait_dma2 semaphore(%run_scoped3A : memref<!tpu.dma_semaphore, #tpu.memory_space<semaphore_mem>>) src(%arg16 : memref<128x16xf32, #tpu.memory_space<vmem>>) dst(%dma_wait3A_41 : memref<128x16xf32, #tpu.memory_space<vmem_shared>>)
      tpu.yield
    }) : () -> ()
    %add3A_21 = arith.constant 384 : i32
    %add3A_22 = arith.addi %mul3A_8, %add3A_21 : i32
    "tpu.region"() ({
      %run_scoped3A = tpu.sem_alloc : memref<!tpu.dma_semaphore, #tpu.memory_space<semaphore_mem>>
      %dma_start3A = arith.constant 0 : i32
      %dma_start3A_36 = tpu.memref_slice %arg9[%add3A_22, %dma_start3A] : memref<10240x128xf32, #tpu.memory_space<vmem_shared>> -> memref<128x128xf32, #tpu.memory_space<vmem_shared>>
      %dma_start3A_37 = arith.constant 0 : i32
      %dma_start3A_38 = tpu.memref_slice %arg9[%add3A_22, %dma_start3A_37] : memref<10240x128xf32, #tpu.memory_space<vmem_shared>> -> memref<128x128xf32, #tpu.memory_space<vmem_shared>>
      tpu.enqueue_dma source(%arg13 : memref<128x128xf32, #tpu.memory_space<vmem>>) target(%dma_start3A_38 : memref<128x128xf32, #tpu.memory_space<vmem_shared>>) target_semaphore(%run_scoped3A : memref<!tpu.dma_semaphore, #tpu.memory_space<semaphore_mem>>)
      %dma_wait3A = arith.constant 0 : i32
      %dma_wait3A_39 = tpu.memref_slice %arg9[%add3A_22, %dma_wait3A] : memref<10240x128xf32, #tpu.memory_space<vmem_shared>> -> memref<128x128xf32, #tpu.memory_space<vmem_shared>>
      %dma_wait3A_40 = arith.constant 0 : i32
      %dma_wait3A_41 = tpu.memref_slice %arg9[%add3A_22, %dma_wait3A_40] : memref<10240x128xf32, #tpu.memory_space<vmem_shared>> -> memref<128x128xf32, #tpu.memory_space<vmem_shared>>
      tpu.wait_dma2 semaphore(%run_scoped3A : memref<!tpu.dma_semaphore, #tpu.memory_space<semaphore_mem>>) src(%arg13 : memref<128x128xf32, #tpu.memory_space<vmem>>) dst(%dma_wait3A_41 : memref<128x128xf32, #tpu.memory_space<vmem_shared>>)
      tpu.yield
    }) : () -> ()
    %add3A_23 = arith.constant 384 : i32
    %add3A_24 = arith.addi %mul3A_8, %add3A_23 : i32
    "tpu.region"() ({
      %run_scoped3A = tpu.sem_alloc : memref<!tpu.dma_semaphore, #tpu.memory_space<semaphore_mem>>
      %dma_start3A = arith.constant 0 : i32
      %dma_start3A_36 = tpu.memref_slice %arg10[%add3A_24, %dma_start3A] : memref<10240x16xf32, #tpu.memory_space<vmem_shared>> -> memref<128x16xf32, #tpu.memory_space<vmem_shared>>
      %dma_start3A_37 = arith.constant 0 : i32
      %dma_start3A_38 = tpu.memref_slice %arg10[%add3A_24, %dma_start3A_37] : memref<10240x16xf32, #tpu.memory_space<vmem_shared>> -> memref<128x16xf32, #tpu.memory_space<vmem_shared>>
      tpu.enqueue_dma source(%arg16 : memref<128x16xf32, #tpu.memory_space<vmem>>) target(%dma_start3A_38 : memref<128x16xf32, #tpu.memory_space<vmem_shared>>) target_semaphore(%run_scoped3A : memref<!tpu.dma_semaphore, #tpu.memory_space<semaphore_mem>>)
      %dma_wait3A = arith.constant 0 : i32
      %dma_wait3A_39 = tpu.memref_slice %arg10[%add3A_24, %dma_wait3A] : memref<10240x16xf32, #tpu.memory_space<vmem_shared>> -> memref<128x16xf32, #tpu.memory_space<vmem_shared>>
      %dma_wait3A_40 = arith.constant 0 : i32
      %dma_wait3A_41 = tpu.memref_slice %arg10[%add3A_24, %dma_wait3A_40] : memref<10240x16xf32, #tpu.memory_space<vmem_shared>> -> memref<128x16xf32, #tpu.memory_space<vmem_shared>>
      tpu.wait_dma2 semaphore(%run_scoped3A : memref<!tpu.dma_semaphore, #tpu.memory_space<semaphore_mem>>) src(%arg16 : memref<128x16xf32, #tpu.memory_space<vmem>>) dst(%dma_wait3A_41 : memref<128x16xf32, #tpu.memory_space<vmem_shared>>)
      tpu.yield
    }) : () -> ()
    %add3A_25 = arith.constant 512 : i32
    %add3A_26 = arith.addi %mul3A_8, %add3A_25 : i32
    "tpu.region"() ({
      %run_scoped3A = tpu.sem_alloc : memref<!tpu.dma_semaphore, #tpu.memory_space<semaphore_mem>>
      %dma_start3A = arith.constant 0 : i32
      %dma_start3A_36 = tpu.memref_slice %arg9[%add3A_26, %dma_start3A] : memref<10240x128xf32, #tpu.memory_space<vmem_shared>> -> memref<128x128xf32, #tpu.memory_space<vmem_shared>>
      %dma_start3A_37 = arith.constant 0 : i32
      %dma_start3A_38 = tpu.memref_slice %arg9[%add3A_26, %dma_start3A_37] : memref<10240x128xf32, #tpu.memory_space<vmem_shared>> -> memref<128x128xf32, #tpu.memory_space<vmem_shared>>
      tpu.enqueue_dma source(%arg13 : memref<128x128xf32, #tpu.memory_space<vmem>>) target(%dma_start3A_38 : memref<128x128xf32, #tpu.memory_space<vmem_shared>>) target_semaphore(%run_scoped3A : memref<!tpu.dma_semaphore, #tpu.memory_space<semaphore_mem>>)
      %dma_wait3A = arith.constant 0 : i32
      %dma_wait3A_39 = tpu.memref_slice %arg9[%add3A_26, %dma_wait3A] : memref<10240x128xf32, #tpu.memory_space<vmem_shared>> -> memref<128x128xf32, #tpu.memory_space<vmem_shared>>
      %dma_wait3A_40 = arith.constant 0 : i32
      %dma_wait3A_41 = tpu.memref_slice %arg9[%add3A_26, %dma_wait3A_40] : memref<10240x128xf32, #tpu.memory_space<vmem_shared>> -> memref<128x128xf32, #tpu.memory_space<vmem_shared>>
      tpu.wait_dma2 semaphore(%run_scoped3A : memref<!tpu.dma_semaphore, #tpu.memory_space<semaphore_mem>>) src(%arg13 : memref<128x128xf32, #tpu.memory_space<vmem>>) dst(%dma_wait3A_41 : memref<128x128xf32, #tpu.memory_space<vmem_shared>>)
      tpu.yield
    }) : () -> ()
    %add3A_27 = arith.constant 512 : i32
    %add3A_28 = arith.addi %mul3A_8, %add3A_27 : i32
    "tpu.region"() ({
      %run_scoped3A = tpu.sem_alloc : memref<!tpu.dma_semaphore, #tpu.memory_space<semaphore_mem>>
      %dma_start3A = arith.constant 0 : i32
      %dma_start3A_36 = tpu.memref_slice %arg10[%add3A_28, %dma_start3A] : memref<10240x16xf32, #tpu.memory_space<vmem_shared>> -> memref<128x16xf32, #tpu.memory_space<vmem_shared>>
      %dma_start3A_37 = arith.constant 0 : i32
      %dma_start3A_38 = tpu.memref_slice %arg10[%add3A_28, %dma_start3A_37] : memref<10240x16xf32, #tpu.memory_space<vmem_shared>> -> memref<128x16xf32, #tpu.memory_space<vmem_shared>>
      tpu.enqueue_dma source(%arg16 : memref<128x16xf32, #tpu.memory_space<vmem>>) target(%dma_start3A_38 : memref<128x16xf32, #tpu.memory_space<vmem_shared>>) target_semaphore(%run_scoped3A : memref<!tpu.dma_semaphore, #tpu.memory_space<semaphore_mem>>)
      %dma_wait3A = arith.constant 0 : i32
      %dma_wait3A_39 = tpu.memref_slice %arg10[%add3A_28, %dma_wait3A] : memref<10240x16xf32, #tpu.memory_space<vmem_shared>> -> memref<128x16xf32, #tpu.memory_space<vmem_shared>>
      %dma_wait3A_40 = arith.constant 0 : i32
      %dma_wait3A_41 = tpu.memref_slice %arg10[%add3A_28, %dma_wait3A_40] : memref<10240x16xf32, #tpu.memory_space<vmem_shared>> -> memref<128x16xf32, #tpu.memory_space<vmem_shared>>
      tpu.wait_dma2 semaphore(%run_scoped3A : memref<!tpu.dma_semaphore, #tpu.memory_space<semaphore_mem>>) src(%arg16 : memref<128x16xf32, #tpu.memory_space<vmem>>) dst(%dma_wait3A_41 : memref<128x16xf32, #tpu.memory_space<vmem_shared>>)
      tpu.yield
    }) : () -> ()
    %barrier3A = arith.constant 0 : index
    tpu.barrier barrier_id(%barrier3A)
    %scan3A_29 = arith.constant 0 : i32
    %scan3A_30 = arith.constant 0 : i32
    %scan3A_31 = arith.constant 5 : i32
    %scan3A_32 = arith.addi %scan3A_30, %scan3A_31 : i32
    %scan3A_33 = arith.constant 1 : i32
    scf.for %scan3A_36 = %scan3A_30 to %scan3A_32 step %scan3A_33  : i32 {
      %mul3A_37 = arith.constant 80 : i32
      %mul3A_38 = arith.muli %add3A, %mul3A_37 : i32
      %mul3A_39 = arith.constant 16 : i32
      %mul3A_40 = arith.muli %scan3A_36, %mul3A_39 : i32
      %add3A_41 = arith.addi %mul3A_38, %mul3A_40 : i32
      "tpu.region"() ({
        %run_scoped3A = tpu.sem_alloc : memref<!tpu.dma_semaphore, #tpu.memory_space<semaphore_mem>>
        %dma_start3A = arith.constant 0 : i32
        %dma_start3A_48 = tpu.memref_slice %arg5[%add3A_41, %dma_start3A] : memref<2560x128xi32, #tpu.memory_space<hbm>> -> memref<16x128xi32, #tpu.memory_space<hbm>>
        %dma_start3A_49 = arith.constant 0 : i32
        %dma_start3A_50 = tpu.memref_slice %arg5[%add3A_41, %dma_start3A_49] : memref<2560x128xi32, #tpu.memory_space<hbm>> -> memref<16x128xi32, #tpu.memory_space<hbm>>
        tpu.enqueue_dma source(%dma_start3A_50 : memref<16x128xi32, #tpu.memory_space<hbm>>) target(%arg11 : memref<16x128xi32, #tpu.memory_space<vmem>>) target_semaphore(%run_scoped3A : memref<!tpu.dma_semaphore, #tpu.memory_space<semaphore_mem>>)
        %dma_wait3A = arith.constant 0 : i32
        %dma_wait3A_51 = tpu.memref_slice %arg5[%add3A_41, %dma_wait3A] : memref<2560x128xi32, #tpu.memory_space<hbm>> -> memref<16x128xi32, #tpu.memory_space<hbm>>
        %dma_wait3A_52 = arith.constant 0 : i32
        %dma_wait3A_53 = tpu.memref_slice %arg5[%add3A_41, %dma_wait3A_52] : memref<2560x128xi32, #tpu.memory_space<hbm>> -> memref<16x128xi32, #tpu.memory_space<hbm>>
        tpu.wait_dma2 semaphore(%run_scoped3A : memref<!tpu.dma_semaphore, #tpu.memory_space<semaphore_mem>>) src(%dma_wait3A_53 : memref<16x128xi32, #tpu.memory_space<hbm>>) dst(%arg11 : memref<16x128xi32, #tpu.memory_space<vmem>>)
        tpu.yield
      }) : () -> ()
      "tpu.region"() ({
        %run_scoped3A = tpu.sem_alloc : memref<!tpu.dma_semaphore, #tpu.memory_space<semaphore_mem>>
        %dma_start3A = arith.constant 0 : i32
        %dma_start3A_48 = tpu.memref_slice %arg6[%add3A_41, %dma_start3A] : memref<2560x128xi32, #tpu.memory_space<hbm>> -> memref<16x128xi32, #tpu.memory_space<hbm>>
        %dma_start3A_49 = arith.constant 0 : i32
        %dma_start3A_50 = tpu.memref_slice %arg6[%add3A_41, %dma_start3A_49] : memref<2560x128xi32, #tpu.memory_space<hbm>> -> memref<16x128xi32, #tpu.memory_space<hbm>>
        tpu.enqueue_dma source(%dma_start3A_50 : memref<16x128xi32, #tpu.memory_space<hbm>>) target(%arg12 : memref<16x128xi32, #tpu.memory_space<vmem>>) target_semaphore(%run_scoped3A : memref<!tpu.dma_semaphore, #tpu.memory_space<semaphore_mem>>)
        %dma_wait3A = arith.constant 0 : i32
        %dma_wait3A_51 = tpu.memref_slice %arg6[%add3A_41, %dma_wait3A] : memref<2560x128xi32, #tpu.memory_space<hbm>> -> memref<16x128xi32, #tpu.memory_space<hbm>>
        %dma_wait3A_52 = arith.constant 0 : i32
        %dma_wait3A_53 = tpu.memref_slice %arg6[%add3A_41, %dma_wait3A_52] : memref<2560x128xi32, #tpu.memory_space<hbm>> -> memref<16x128xi32, #tpu.memory_space<hbm>>
        tpu.wait_dma2 semaphore(%run_scoped3A : memref<!tpu.dma_semaphore, #tpu.memory_space<semaphore_mem>>) src(%dma_wait3A_53 : memref<16x128xi32, #tpu.memory_space<hbm>>) dst(%arg12 : memref<16x128xi32, #tpu.memory_space<vmem>>)
        tpu.yield
      }) : () -> ()
      %scan3A_42 = arith.constant 0 : i32
      %scan3A_43 = arith.constant 0 : i32
      %scan3A_44 = arith.constant 16 : i32
      %scan3A_45 = arith.addi %scan3A_43, %scan3A_44 : i32
      %scan3A_46 = arith.constant 1 : i32
      scf.for %scan3A_48 = %scan3A_43 to %scan3A_45 step %scan3A_46  : i32 {
        %dma_start3A = arith.constant 0 : i32
        %dma_start3A_49 = tpu.memref_slice %arg11[%scan3A_48, %dma_start3A] : memref<16x128xi32, #tpu.memory_space<vmem>> -> memref<1x128xi32, #tpu.memory_space<vmem>>
        %dma_start3A_50 = tpu.memref_squeeze %dma_start3A_49 : memref<1x128xi32, #tpu.memory_space<vmem>> -> memref<128xi32, #tpu.memory_space<vmem>>
        %dma_start3A_51 = arith.constant 0 : i32
        %dma_start3A_52 = arith.constant 0 : i32
        %dma_start3A_53 = tpu.memref_slice %arg2[%dma_start3A_51, %dma_start3A_52] : memref<10240x128xf32, #tpu.memory_space<hbm>> -> memref<10240x128xf32, #tpu.memory_space<hbm>>
        tpu.enqueue_indirect_dma source(%dma_start3A_53 : memref<10240x128xf32, #tpu.memory_space<hbm>>) target(%arg13 : memref<128x128xf32, #tpu.memory_space<vmem>>) offsets(%dma_start3A_50 : memref<128xi32, #tpu.memory_space<vmem>>) semaphore(%arg17 : memref<!tpu.dma_semaphore, #tpu.memory_space<semaphore_mem>>)
        %dma_start3A_54 = arith.constant 0 : i32
        %dma_start3A_55 = tpu.memref_slice %arg11[%scan3A_48, %dma_start3A_54] : memref<16x128xi32, #tpu.memory_space<vmem>> -> memref<1x128xi32, #tpu.memory_space<vmem>>
        %dma_start3A_56 = tpu.memref_squeeze %dma_start3A_55 : memref<1x128xi32, #tpu.memory_space<vmem>> -> memref<128xi32, #tpu.memory_space<vmem>>
        %dma_start3A_57 = arith.constant 0 : i32
        %dma_start3A_58 = arith.constant 0 : i32
        %dma_start3A_59 = tpu.memref_slice %arg3[%dma_start3A_57, %dma_start3A_58] : memref<10240x16xf32, #tpu.memory_space<hbm>> -> memref<10240x16xf32, #tpu.memory_space<hbm>>
        tpu.enqueue_indirect_dma source(%dma_start3A_59 : memref<10240x16xf32, #tpu.memory_space<hbm>>) target(%arg14 : memref<128x16xf32, #tpu.memory_space<vmem>>) offsets(%dma_start3A_56 : memref<128xi32, #tpu.memory_space<vmem>>) semaphore(%arg18 : memref<!tpu.dma_semaphore, #tpu.memory_space<semaphore_mem>>)
        %dma_start3A_60 = arith.constant 0 : i32
        %dma_start3A_61 = tpu.memref_slice %arg12[%scan3A_48, %dma_start3A_60] : memref<16x128xi32, #tpu.memory_space<vmem>> -> memref<1x128xi32, #tpu.memory_space<vmem>>
        %dma_start3A_62 = tpu.memref_squeeze %dma_start3A_61 : memref<1x128xi32, #tpu.memory_space<vmem>> -> memref<128xi32, #tpu.memory_space<vmem>>
        %dma_start3A_63 = arith.constant 0 : i32
        %dma_start3A_64 = arith.constant 0 : i32
        %dma_start3A_65 = tpu.memref_slice %arg4[%dma_start3A_63, %dma_start3A_64] : memref<10240x16xf32, #tpu.memory_space<hbm>> -> memref<10240x16xf32, #tpu.memory_space<hbm>>
        tpu.enqueue_indirect_dma source(%dma_start3A_65 : memref<10240x16xf32, #tpu.memory_space<hbm>>) target(%arg15 : memref<128x16xf32, #tpu.memory_space<vmem>>) offsets(%dma_start3A_62 : memref<128xi32, #tpu.memory_space<vmem>>) semaphore(%arg18 : memref<!tpu.dma_semaphore, #tpu.memory_space<semaphore_mem>>)
        %dma_wait3A = arith.constant 0 : i32
        %dma_wait3A_66 = tpu.memref_slice %arg11[%scan3A_48, %dma_wait3A] : memref<16x128xi32, #tpu.memory_space<vmem>> -> memref<1x128xi32, #tpu.memory_space<vmem>>
        %dma_wait3A_67 = tpu.memref_squeeze %dma_wait3A_66 : memref<1x128xi32, #tpu.memory_space<vmem>> -> memref<128xi32, #tpu.memory_space<vmem>>
        %dma_wait3A_68 = arith.constant 0 : i32
        %dma_wait3A_69 = arith.constant 0 : i32
        %dma_wait3A_70 = tpu.memref_slice %arg3[%dma_wait3A_68, %dma_wait3A_69] : memref<10240x16xf32, #tpu.memory_space<hbm>> -> memref<10240x16xf32, #tpu.memory_space<hbm>>
        tpu.wait_indirect_dma semaphore(%arg18 : memref<!tpu.dma_semaphore, #tpu.memory_space<semaphore_mem>>) src(%dma_wait3A_70 : memref<10240x16xf32, #tpu.memory_space<hbm>>) dst(%arg14 : memref<128x16xf32, #tpu.memory_space<vmem>>)
        %dma_wait3A_71 = arith.constant 0 : i32
        %dma_wait3A_72 = tpu.memref_slice %arg12[%scan3A_48, %dma_wait3A_71] : memref<16x128xi32, #tpu.memory_space<vmem>> -> memref<1x128xi32, #tpu.memory_space<vmem>>
        %dma_wait3A_73 = tpu.memref_squeeze %dma_wait3A_72 : memref<1x128xi32, #tpu.memory_space<vmem>> -> memref<128xi32, #tpu.memory_space<vmem>>
        %dma_wait3A_74 = arith.constant 0 : i32
        %dma_wait3A_75 = arith.constant 0 : i32
        %dma_wait3A_76 = tpu.memref_slice %arg4[%dma_wait3A_74, %dma_wait3A_75] : memref<10240x16xf32, #tpu.memory_space<hbm>> -> memref<10240x16xf32, #tpu.memory_space<hbm>>
        tpu.wait_indirect_dma semaphore(%arg18 : memref<!tpu.dma_semaphore, #tpu.memory_space<semaphore_mem>>) src(%dma_wait3A_76 : memref<10240x16xf32, #tpu.memory_space<hbm>>) dst(%arg15 : memref<128x16xf32, #tpu.memory_space<vmem>>)
        %scan3A_77 = arith.constant 0 : i32
        %scan3A_78 = arith.constant 0 : i32
        %scan3A_79 = arith.constant 128 : i32
        %scan3A_80 = arith.addi %scan3A_78, %scan3A_79 : i32
        %scan3A_81 = arith.constant 1 : i32
        scf.for %scan3A_95 = %scan3A_78 to %scan3A_80 step %scan3A_81  : i32 {
          %get3A = arith.index_cast %scan3A_95 : i32 to index
          %get3A_96 = arith.constant 0 : index
          %get3A_97 = tpu.vector_load %arg14[%get3A, %get3A_96] {strides = array<i32>} : memref<128x16xf32, #tpu.memory_space<vmem>>, vector<1x16xf32>,
          %get3A_98 = vector.shape_cast %get3A_97 : vector<1x16xf32> to vector<16xf32>
          %get3A_99 = arith.index_cast %scan3A_95 : i32 to index
          %get3A_100 = arith.constant 0 : index
          %get3A_101 = tpu.vector_load %arg15[%get3A_99, %get3A_100] {strides = array<i32>} : memref<128x16xf32, #tpu.memory_space<vmem>>, vector<1x16xf32>,
          %get3A_102 = vector.shape_cast %get3A_101 : vector<1x16xf32> to vector<16xf32>
          %add3A_103 = arith.addf %get3A_98, %get3A_102 : vector<16xf32>
          %mul3A_104 = arith.constant 2.000000e-01 : f32
          %mul3A_105 = vector.broadcast %mul3A_104 : f32 to vector<16xf32>
          %mul3A_106 = arith.mulf %mul3A_105, %add3A_103 : vector<16xf32>
          %max3A = arith.maximumf %add3A_103, %mul3A_106 : vector<16xf32>
          %exp3A = math.exp %max3A : vector<16xf32>
          %swap3A = arith.index_cast %scan3A_95 : i32 to index
          %swap3A_107 = arith.constant 0 : index
          %swap3A_108 = tpu.vector_load %arg16[%swap3A, %swap3A_107] {strides = array<i32>} : memref<128x16xf32, #tpu.memory_space<vmem>>, vector<1x16xf32>,
          %swap3A_109 = vector.shape_cast %swap3A_108 : vector<1x16xf32> to vector<16xf32>
          %swap3A_110 = vector.shape_cast %exp3A : vector<16xf32> to vector<1x16xf32>
          tpu.vector_store %arg16[%swap3A, %swap3A_107], %swap3A_110 {strides = array<i32>} : memref<128x16xf32, #tpu.memory_space<vmem>>, vector<1x16xf32>,
        }
        %scan3A_82 = arith.constant 128 : i32
        %dma_wait3A_83 = arith.constant 0 : i32
        %dma_wait3A_84 = tpu.memref_slice %arg11[%scan3A_48, %dma_wait3A_83] : memref<16x128xi32, #tpu.memory_space<vmem>> -> memref<1x128xi32, #tpu.memory_space<vmem>>
        %dma_wait3A_85 = tpu.memref_squeeze %dma_wait3A_84 : memref<1x128xi32, #tpu.memory_space<vmem>> -> memref<128xi32, #tpu.memory_space<vmem>>
        %dma_wait3A_86 = arith.constant 0 : i32
        %dma_wait3A_87 = arith.constant 0 : i32
        %dma_wait3A_88 = tpu.memref_slice %arg2[%dma_wait3A_86, %dma_wait3A_87] : memref<10240x128xf32, #tpu.memory_space<hbm>> -> memref<10240x128xf32, #tpu.memory_space<hbm>>
        tpu.wait_indirect_dma semaphore(%arg17 : memref<!tpu.dma_semaphore, #tpu.memory_space<semaphore_mem>>) src(%dma_wait3A_88 : memref<10240x128xf32, #tpu.memory_space<hbm>>) dst(%arg13 : memref<128x128xf32, #tpu.memory_space<vmem>>)
        %scan3A_89 = arith.constant 0 : i32
        %scan3A_90 = arith.constant 0 : i32
        %scan3A_91 = arith.constant 128 : i32
        %scan3A_92 = arith.addi %scan3A_90, %scan3A_91 : i32
        %scan3A_93 = arith.constant 1 : i32
        scf.for %scan3A_95 = %scan3A_90 to %scan3A_92 step %scan3A_93  : i32 {
          %get3A = arith.index_cast %scan3A_95 : i32 to index
          %get3A_96 = arith.constant 0 : index
          %get3A_97 = tpu.vector_load %arg16[%get3A, %get3A_96] {strides = array<i32>} : memref<128x16xf32, #tpu.memory_space<vmem>>, vector<1x16xf32>,
          %get3A_98 = vector.shape_cast %get3A_97 : vector<1x16xf32> to vector<16xf32>
          %get3A_99 = arith.index_cast %scan3A_95 : i32 to index
          %get3A_100 = arith.constant 0 : index
          %get3A_101 = tpu.vector_load %arg13[%get3A_99, %get3A_100] {strides = array<i32>} : memref<128x128xf32, #tpu.memory_space<vmem>>, vector<1x16xf32>,
          %get3A_102 = vector.shape_cast %get3A_101 : vector<1x16xf32> to vector<16xf32>
          %slice3A = vector.extract_strided_slice %get3A_98 {offsets = [0], sizes = [1], strides = [1]} : vector<16xf32> to vector<1xf32>
          %squeeze3A = vector.extract %slice3A[0] : f32 from vector<1xf32>
          %mul3A_103 = vector.broadcast %squeeze3A : f32 to vector<16xf32>
          %mul3A_104 = arith.mulf %get3A_102, %mul3A_103 : vector<16xf32>
          %swap3A = arith.index_cast %scan3A_95 : i32 to index
          %swap3A_105 = arith.constant 0 : index
          %swap3A_106 = tpu.vector_load %arg13[%swap3A, %swap3A_105] {strides = array<i32>} : memref<128x128xf32, #tpu.memory_space<vmem>>, vector<1x16xf32>,
          %swap3A_107 = vector.shape_cast %swap3A_106 : vector<1x16xf32> to vector<16xf32>
          %swap3A_108 = vector.shape_cast %mul3A_104 : vector<16xf32> to vector<1x16xf32>
          tpu.vector_store %arg13[%swap3A, %swap3A_105], %swap3A_108 {strides = array<i32>} : memref<128x128xf32, #tpu.memory_space<vmem>>, vector<1x16xf32>,
          %get3A_109 = arith.index_cast %scan3A_95 : i32 to index
          %get3A_110 = arith.constant 16 : index
          %get3A_111 = tpu.vector_load %arg13[%get3A_109, %get3A_110] {strides = array<i32>} : memref<128x128xf32, #tpu.memory_space<vmem>>, vector<1x16xf32>,
          %get3A_112 = vector.shape_cast %get3A_111 : vector<1x16xf32> to vector<16xf32>
          %slice3A_113 = vector.extract_strided_slice %get3A_98 {offsets = [1], sizes = [1], strides = [1]} : vector<16xf32> to vector<1xf32>
          %squeeze3A_114 = vector.extract %slice3A_113[0] : f32 from vector<1xf32>
          %mul3A_115 = vector.broadcast %squeeze3A_114 : f32 to vector<16xf32>
          %mul3A_116 = arith.mulf %get3A_112, %mul3A_115 : vector<16xf32>
          %swap3A_117 = arith.index_cast %scan3A_95 : i32 to index
          %swap3A_118 = arith.constant 16 : index
          %swap3A_119 = tpu.vector_load %arg13[%swap3A_117, %swap3A_118] {strides = array<i32>} : memref<128x128xf32, #tpu.memory_space<vmem>>, vector<1x16xf32>,
          %swap3A_120 = vector.shape_cast %swap3A_119 : vector<1x16xf32> to vector<16xf32>
          %swap3A_121 = vector.shape_cast %mul3A_116 : vector<16xf32> to vector<1x16xf32>
          tpu.vector_store %arg13[%swap3A_117, %swap3A_118], %swap3A_121 {strides = array<i32>} : memref<128x128xf32, #tpu.memory_space<vmem>>, vector<1x16xf32>,
          %get3A_122 = arith.index_cast %scan3A_95 : i32 to index
          %get3A_123 = arith.constant 32 : index
          %get3A_124 = tpu.vector_load %arg13[%get3A_122, %get3A_123] {strides = array<i32>} : memref<128x128xf32, #tpu.memory_space<vmem>>, vector<1x16xf32>,
          %get3A_125 = vector.shape_cast %get3A_124 : vector<1x16xf32> to vector<16xf32>
          %slice3A_126 = vector.extract_strided_slice %get3A_98 {offsets = [2], sizes = [1], strides = [1]} : vector<16xf32> to vector<1xf32>
          %squeeze3A_127 = vector.extract %slice3A_126[0] : f32 from vector<1xf32>
          %mul3A_128 = vector.broadcast %squeeze3A_127 : f32 to vector<16xf32>
          %mul3A_129 = arith.mulf %get3A_125, %mul3A_128 : vector<16xf32>
          %swap3A_130 = arith.index_cast %scan3A_95 : i32 to index
          %swap3A_131 = arith.constant 32 : index
          %swap3A_132 = tpu.vector_load %arg13[%swap3A_130, %swap3A_131] {strides = array<i32>} : memref<128x128xf32, #tpu.memory_space<vmem>>, vector<1x16xf32>,
          %swap3A_133 = vector.shape_cast %swap3A_132 : vector<1x16xf32> to vector<16xf32>
          %swap3A_134 = vector.shape_cast %mul3A_129 : vector<16xf32> to vector<1x16xf32>
          tpu.vector_store %arg13[%swap3A_130, %swap3A_131], %swap3A_134 {strides = array<i32>} : memref<128x128xf32, #tpu.memory_space<vmem>>, vector<1x16xf32>,
          %get3A_135 = arith.index_cast %scan3A_95 : i32 to index
          %get3A_136 = arith.constant 48 : index
          %get3A_137 = tpu.vector_load %arg13[%get3A_135, %get3A_136] {strides = array<i32>} : memref<128x128xf32, #tpu.memory_space<vmem>>, vector<1x16xf32>,
          %get3A_138 = vector.shape_cast %get3A_137 : vector<1x16xf32> to vector<16xf32>
          %slice3A_139 = vector.extract_strided_slice %get3A_98 {offsets = [3], sizes = [1], strides = [1]} : vector<16xf32> to vector<1xf32>
          %squeeze3A_140 = vector.extract %slice3A_139[0] : f32 from vector<1xf32>
          %mul3A_141 = vector.broadcast %squeeze3A_140 : f32 to vector<16xf32>
          %mul3A_142 = arith.mulf %get3A_138, %mul3A_141 : vector<16xf32>
          %swap3A_143 = arith.index_cast %scan3A_95 : i32 to index
          %swap3A_144 = arith.constant 48 : index
          %swap3A_145 = tpu.vector_load %arg13[%swap3A_143, %swap3A_144] {strides = array<i32>} : memref<128x128xf32, #tpu.memory_space<vmem>>, vector<1x16xf32>,
          %swap3A_146 = vector.shape_cast %swap3A_145 : vector<1x16xf32> to vector<16xf32>
          %swap3A_147 = vector.shape_cast %mul3A_142 : vector<16xf32> to vector<1x16xf32>
          tpu.vector_store %arg13[%swap3A_143, %swap3A_144], %swap3A_147 {strides = array<i32>} : memref<128x128xf32, #tpu.memory_space<vmem>>, vector<1x16xf32>,
          %get3A_148 = arith.index_cast %scan3A_95 : i32 to index
          %get3A_149 = arith.constant 64 : index
          %get3A_150 = tpu.vector_load %arg13[%get3A_148, %get3A_149] {strides = array<i32>} : memref<128x128xf32, #tpu.memory_space<vmem>>, vector<1x16xf32>,
          %get3A_151 = vector.shape_cast %get3A_150 : vector<1x16xf32> to vector<16xf32>
          %slice3A_152 = vector.extract_strided_slice %get3A_98 {offsets = [4], sizes = [1], strides = [1]} : vector<16xf32> to vector<1xf32>
          %squeeze3A_153 = vector.extract %slice3A_152[0] : f32 from vector<1xf32>
          %mul3A_154 = vector.broadcast %squeeze3A_153 : f32 to vector<16xf32>
          %mul3A_155 = arith.mulf %get3A_151, %mul3A_154 : vector<16xf32>
          %swap3A_156 = arith.index_cast %scan3A_95 : i32 to index
          %swap3A_157 = arith.constant 64 : index
          %swap3A_158 = tpu.vector_load %arg13[%swap3A_156, %swap3A_157] {strides = array<i32>} : memref<128x128xf32, #tpu.memory_space<vmem>>, vector<1x16xf32>,
          %swap3A_159 = vector.shape_cast %swap3A_158 : vector<1x16xf32> to vector<16xf32>
          %swap3A_160 = vector.shape_cast %mul3A_155 : vector<16xf32> to vector<1x16xf32>
          tpu.vector_store %arg13[%swap3A_156, %swap3A_157], %swap3A_160 {strides = array<i32>} : memref<128x128xf32, #tpu.memory_space<vmem>>, vector<1x16xf32>,
          %get3A_161 = arith.index_cast %scan3A_95 : i32 to index
          %get3A_162 = arith.constant 80 : index
          %get3A_163 = tpu.vector_load %arg13[%get3A_161, %get3A_162] {strides = array<i32>} : memref<128x128xf32, #tpu.memory_space<vmem>>, vector<1x16xf32>,
          %get3A_164 = vector.shape_cast %get3A_163 : vector<1x16xf32> to vector<16xf32>
          %slice3A_165 = vector.extract_strided_slice %get3A_98 {offsets = [5], sizes = [1], strides = [1]} : vector<16xf32> to vector<1xf32>
          %squeeze3A_166 = vector.extract %slice3A_165[0] : f32 from vector<1xf32>
          %mul3A_167 = vector.broadcast %squeeze3A_166 : f32 to vector<16xf32>
          %mul3A_168 = arith.mulf %get3A_164, %mul3A_167 : vector<16xf32>
          %swap3A_169 = arith.index_cast %scan3A_95 : i32 to index
          %swap3A_170 = arith.constant 80 : index
          %swap3A_171 = tpu.vector_load %arg13[%swap3A_169, %swap3A_170] {strides = array<i32>} : memref<128x128xf32, #tpu.memory_space<vmem>>, vector<1x16xf32>,
          %swap3A_172 = vector.shape_cast %swap3A_171 : vector<1x16xf32> to vector<16xf32>
          %swap3A_173 = vector.shape_cast %mul3A_168 : vector<16xf32> to vector<1x16xf32>
          tpu.vector_store %arg13[%swap3A_169, %swap3A_170], %swap3A_173 {strides = array<i32>} : memref<128x128xf32, #tpu.memory_space<vmem>>, vector<1x16xf32>,
          %get3A_174 = arith.index_cast %scan3A_95 : i32 to index
          %get3A_175 = arith.constant 96 : index
          %get3A_176 = tpu.vector_load %arg13[%get3A_174, %get3A_175] {strides = array<i32>} : memref<128x128xf32, #tpu.memory_space<vmem>>, vector<1x16xf32>,
          %get3A_177 = vector.shape_cast %get3A_176 : vector<1x16xf32> to vector<16xf32>
          %slice3A_178 = vector.extract_strided_slice %get3A_98 {offsets = [6], sizes = [1], strides = [1]} : vector<16xf32> to vector<1xf32>
          %squeeze3A_179 = vector.extract %slice3A_178[0] : f32 from vector<1xf32>
          %mul3A_180 = vector.broadcast %squeeze3A_179 : f32 to vector<16xf32>
          %mul3A_181 = arith.mulf %get3A_177, %mul3A_180 : vector<16xf32>
          %swap3A_182 = arith.index_cast %scan3A_95 : i32 to index
          %swap3A_183 = arith.constant 96 : index
          %swap3A_184 = tpu.vector_load %arg13[%swap3A_182, %swap3A_183] {strides = array<i32>} : memref<128x128xf32, #tpu.memory_space<vmem>>, vector<1x16xf32>,
          %swap3A_185 = vector.shape_cast %swap3A_184 : vector<1x16xf32> to vector<16xf32>
          %swap3A_186 = vector.shape_cast %mul3A_181 : vector<16xf32> to vector<1x16xf32>
          tpu.vector_store %arg13[%swap3A_182, %swap3A_183], %swap3A_186 {strides = array<i32>} : memref<128x128xf32, #tpu.memory_space<vmem>>, vector<1x16xf32>,
          %get3A_187 = arith.index_cast %scan3A_95 : i32 to index
          %get3A_188 = arith.constant 112 : index
          %get3A_189 = tpu.vector_load %arg13[%get3A_187, %get3A_188] {strides = array<i32>} : memref<128x128xf32, #tpu.memory_space<vmem>>, vector<1x16xf32>,
          %get3A_190 = vector.shape_cast %get3A_189 : vector<1x16xf32> to vector<16xf32>
          %slice3A_191 = vector.extract_strided_slice %get3A_98 {offsets = [7], sizes = [1], strides = [1]} : vector<16xf32> to vector<1xf32>
          %squeeze3A_192 = vector.extract %slice3A_191[0] : f32 from vector<1xf32>
          %mul3A_193 = vector.broadcast %squeeze3A_192 : f32 to vector<16xf32>
          %mul3A_194 = arith.mulf %get3A_190, %mul3A_193 : vector<16xf32>
          %swap3A_195 = arith.index_cast %scan3A_95 : i32 to index
          %swap3A_196 = arith.constant 112 : index
          %swap3A_197 = tpu.vector_load %arg13[%swap3A_195, %swap3A_196] {strides = array<i32>} : memref<128x128xf32, #tpu.memory_space<vmem>>, vector<1x16xf32>,
          %swap3A_198 = vector.shape_cast %swap3A_197 : vector<1x16xf32> to vector<16xf32>
          %swap3A_199 = vector.shape_cast %mul3A_194 : vector<16xf32> to vector<1x16xf32>
          tpu.vector_store %arg13[%swap3A_195, %swap3A_196], %swap3A_199 {strides = array<i32>} : memref<128x128xf32, #tpu.memory_space<vmem>>, vector<1x16xf32>,
        }
        %scan3A_94 = arith.constant 128 : i32
        "tpu.region"() ({
          %run_scoped3A = tpu.sem_alloc : memref<!tpu.dma_semaphore, #tpu.memory_space<semaphore_mem>>
          %dma_start3A_95 = arith.constant 0 : i32
          %dma_start3A_96 = tpu.memref_slice %arg12[%scan3A_48, %dma_start3A_95] : memref<16x128xi32, #tpu.memory_space<vmem>> -> memref<1x128xi32, #tpu.memory_space<vmem>>
          %dma_start3A_97 = tpu.memref_squeeze %dma_start3A_96 : memref<1x128xi32, #tpu.memory_space<vmem>> -> memref<128xi32, #tpu.memory_space<vmem>>
          %dma_start3A_98 = arith.constant 0 : i32
          %dma_start3A_99 = arith.constant 0 : i32
          %dma_start3A_100 = tpu.memref_slice %arg9[%dma_start3A_98, %dma_start3A_99] : memref<10240x128xf32, #tpu.memory_space<vmem_shared>> -> memref<10240x128xf32, #tpu.memory_space<vmem_shared>>
          tpu.enqueue_indirect_dma source(%arg13 : memref<128x128xf32, #tpu.memory_space<vmem>>) target(%dma_start3A_100 : memref<10240x128xf32, #tpu.memory_space<vmem_shared>>) offsets(%dma_start3A_97 : memref<128xi32, #tpu.memory_space<vmem>>) semaphore(%run_scoped3A : memref<!tpu.dma_semaphore, #tpu.memory_space<semaphore_mem>>) {add = true}
          %dma_wait3A_101 = arith.constant 0 : i32
          %dma_wait3A_102 = tpu.memref_slice %arg12[%scan3A_48, %dma_wait3A_101] : memref<16x128xi32, #tpu.memory_space<vmem>> -> memref<1x128xi32, #tpu.memory_space<vmem>>
          %dma_wait3A_103 = tpu.memref_squeeze %dma_wait3A_102 : memref<1x128xi32, #tpu.memory_space<vmem>> -> memref<128xi32, #tpu.memory_space<vmem>>
          %dma_wait3A_104 = arith.constant 0 : i32
          %dma_wait3A_105 = arith.constant 0 : i32
          %dma_wait3A_106 = tpu.memref_slice %arg9[%dma_wait3A_104, %dma_wait3A_105] : memref<10240x128xf32, #tpu.memory_space<vmem_shared>> -> memref<10240x128xf32, #tpu.memory_space<vmem_shared>>
          tpu.wait_indirect_dma semaphore(%run_scoped3A : memref<!tpu.dma_semaphore, #tpu.memory_space<semaphore_mem>>) src(%arg13 : memref<128x128xf32, #tpu.memory_space<vmem>>) dst(%dma_wait3A_106 : memref<10240x128xf32, #tpu.memory_space<vmem_shared>>)
          tpu.yield
        }) : () -> ()
        "tpu.region"() ({
          %run_scoped3A = tpu.sem_alloc : memref<!tpu.dma_semaphore, #tpu.memory_space<semaphore_mem>>
          %dma_start3A_95 = arith.constant 0 : i32
          %dma_start3A_96 = tpu.memref_slice %arg12[%scan3A_48, %dma_start3A_95] : memref<16x128xi32, #tpu.memory_space<vmem>> -> memref<1x128xi32, #tpu.memory_space<vmem>>
          %dma_start3A_97 = tpu.memref_squeeze %dma_start3A_96 : memref<1x128xi32, #tpu.memory_space<vmem>> -> memref<128xi32, #tpu.memory_space<vmem>>
          %dma_start3A_98 = arith.constant 0 : i32
          %dma_start3A_99 = arith.constant 0 : i32
          %dma_start3A_100 = tpu.memref_slice %arg10[%dma_start3A_98, %dma_start3A_99] : memref<10240x16xf32, #tpu.memory_space<vmem_shared>> -> memref<10240x16xf32, #tpu.memory_space<vmem_shared>>
          tpu.enqueue_indirect_dma source(%arg16 : memref<128x16xf32, #tpu.memory_space<vmem>>) target(%dma_start3A_100 : memref<10240x16xf32, #tpu.memory_space<vmem_shared>>) offsets(%dma_start3A_97 : memref<128xi32, #tpu.memory_space<vmem>>) semaphore(%run_scoped3A : memref<!tpu.dma_semaphore, #tpu.memory_space<semaphore_mem>>) {add = true}
          %dma_wait3A_101 = arith.constant 0 : i32
          %dma_wait3A_102 = tpu.memref_slice %arg12[%scan3A_48, %dma_wait3A_101] : memref<16x128xi32, #tpu.memory_space<vmem>> -> memref<1x128xi32, #tpu.memory_space<vmem>>
          %dma_wait3A_103 = tpu.memref_squeeze %dma_wait3A_102 : memref<1x128xi32, #tpu.memory_space<vmem>> -> memref<128xi32, #tpu.memory_space<vmem>>
          %dma_wait3A_104 = arith.constant 0 : i32
          %dma_wait3A_105 = arith.constant 0 : i32
          %dma_wait3A_106 = tpu.memref_slice %arg10[%dma_wait3A_104, %dma_wait3A_105] : memref<10240x16xf32, #tpu.memory_space<vmem_shared>> -> memref<10240x16xf32, #tpu.memory_space<vmem_shared>>
          tpu.wait_indirect_dma semaphore(%run_scoped3A : memref<!tpu.dma_semaphore, #tpu.memory_space<semaphore_mem>>) src(%arg16 : memref<128x16xf32, #tpu.memory_space<vmem>>) dst(%dma_wait3A_106 : memref<10240x16xf32, #tpu.memory_space<vmem_shared>>)
          tpu.yield
        }) : () -> ()
      }
      %scan3A_47 = arith.constant 16 : i32
    }
    %scan3A_34 = arith.constant 5 : i32
    %barrier3A_35 = arith.constant 0 : index
    tpu.barrier barrier_id(%barrier3A_35)
    "tpu.region"() ({
      %run_scoped3A = tpu.sem_alloc : memref<!tpu.dma_semaphore, #tpu.memory_space<semaphore_mem>>
      %dma_start3A = arith.constant 0 : i32
      %dma_start3A_36 = tpu.memref_slice %arg7[%arg0, %mul3A_8, %dma_start3A] : memref<2x10240x128xf32, #tpu.memory_space<hbm>> -> memref<1x640x128xf32, #tpu.memory_space<hbm>>
      %dma_start3A_37 = tpu.memref_squeeze %dma_start3A_36 : memref<1x640x128xf32, #tpu.memory_space<hbm>> -> memref<640x128xf32, #tpu.memory_space<hbm>>
      %dma_start3A_38 = arith.constant 0 : i32
      %dma_start3A_39 = tpu.memref_slice %arg9[%mul3A_8, %dma_start3A_38] : memref<10240x128xf32, #tpu.memory_space<vmem_shared>> -> memref<640x128xf32, #tpu.memory_space<vmem_shared>>
      tpu.enqueue_dma source(%dma_start3A_39 : memref<640x128xf32, #tpu.memory_space<vmem_shared>>) target(%dma_start3A_37 : memref<640x128xf32, #tpu.memory_space<hbm>>) target_semaphore(%run_scoped3A : memref<!tpu.dma_semaphore, #tpu.memory_space<semaphore_mem>>)
      %dma_wait3A = arith.constant 0 : i32
      %dma_wait3A_40 = tpu.memref_slice %arg7[%arg0, %mul3A_8, %dma_wait3A] : memref<2x10240x128xf32, #tpu.memory_space<hbm>> -> memref<1x640x128xf32, #tpu.memory_space<hbm>>
      %dma_wait3A_41 = tpu.memref_squeeze %dma_wait3A_40 : memref<1x640x128xf32, #tpu.memory_space<hbm>> -> memref<640x128xf32, #tpu.memory_space<hbm>>
      %dma_wait3A_42 = arith.constant 0 : i32
      %dma_wait3A_43 = tpu.memref_slice %arg9[%mul3A_8, %dma_wait3A_42] : memref<10240x128xf32, #tpu.memory_space<vmem_shared>> -> memref<640x128xf32, #tpu.memory_space<vmem_shared>>
      tpu.wait_dma2 semaphore(%run_scoped3A : memref<!tpu.dma_semaphore, #tpu.memory_space<semaphore_mem>>) src(%dma_wait3A_43 : memref<640x128xf32, #tpu.memory_space<vmem_shared>>) dst(%dma_wait3A_41 : memref<640x128xf32, #tpu.memory_space<hbm>>)
      tpu.yield
    }) : () -> ()
    "tpu.region"() ({
      %run_scoped3A = tpu.sem_alloc : memref<!tpu.dma_semaphore, #tpu.memory_space<semaphore_mem>>
      %dma_start3A = arith.constant 0 : i32
      %dma_start3A_36 = tpu.memref_slice %arg8[%arg0, %mul3A_8, %dma_start3A] : memref<2x10240x16xf32, #tpu.memory_space<hbm>> -> memref<1x640x16xf32, #tpu.memory_space<hbm>>
      %dma_start3A_37 = tpu.memref_squeeze %dma_start3A_36 : memref<1x640x16xf32, #tpu.memory_space<hbm>> -> memref<640x16xf32, #tpu.memory_space<hbm>>
      %dma_start3A_38 = arith.constant 0 : i32
      %dma_start3A_39 = tpu.memref_slice %arg10[%mul3A_8, %dma_start3A_38] : memref<10240x16xf32, #tpu.memory_space<vmem_shared>> -> memref<640x16xf32, #tpu.memory_space<vmem_shared>>
      tpu.enqueue_dma source(%dma_start3A_39 : memref<640x16xf32, #tpu.memory_space<vmem_shared>>) target(%dma_start3A_37 : memref<640x16xf32, #tpu.memory_space<hbm>>) target_semaphore(%run_scoped3A : memref<!tpu.dma_semaphore, #tpu.memory_space<semaphore_mem>>)
      %dma_wait3A = arith.constant 0 : i32
      %dma_wait3A_40 = tpu.memref_slice %arg8[%arg0, %mul3A_8, %dma_wait3A] : memref<2x10240x16xf32, #tpu.memory_space<hbm>> -> memref<1x640x16xf32, #tpu.memory_space<hbm>>
      %dma_wait3A_41 = tpu.memref_squeeze %dma_wait3A_40 : memref<1x640x16xf32, #tpu.memory_space<hbm>> -> memref<640x16xf32, #tpu.memory_space<hbm>>
      %dma_wait3A_42 = arith.constant 0 : i32
      %dma_wait3A_43 = tpu.memref_slice %arg10[%mul3A_8, %dma_wait3A_42] : memref<10240x16xf32, #tpu.memory_space<vmem_shared>> -> memref<640x16xf32, #tpu.memory_space<vmem_shared>>
      tpu.wait_dma2 semaphore(%run_scoped3A : memref<!tpu.dma_semaphore, #tpu.memory_space<semaphore_mem>>) src(%dma_wait3A_43 : memref<640x16xf32, #tpu.memory_space<vmem_shared>>) dst(%dma_wait3A_41 : memref<640x16xf32, #tpu.memory_space<hbm>>)
      tpu.yield
    }) : () -> ()
    return
  }
}

#map = affine_map<(d0, d1) -> (0, 0)>
#map1 = affine_map<(d0, d1) -> (0, 0, 0)>
module attributes {stable_mosaic.version = 14 : i64} {
  func.func @_sc_body(%arg0: i32, %arg1: i32, %arg2: memref<10240x128xf32, #tpu.memory_space<hbm>>, %arg3: memref<10240x16xf32, #tpu.memory_space<hbm>>, %arg4: memref<10240x16xf32, #tpu.memory_space<hbm>>, %arg5: memref<2560x128xi32, #tpu.memory_space<hbm>>, %arg6: memref<2560x128xi32, #tpu.memory_space<hbm>>, %arg7: memref<2x10240x128xf32, #tpu.memory_space<hbm>>, %arg8: memref<2x10240x16xf32, #tpu.memory_space<hbm>>, %arg9: memref<10240x128xf32, #tpu.memory_space<vmem_shared>>, %arg10: memref<10240x16xf32, #tpu.memory_space<vmem_shared>>, %arg11: memref<16x128xi32, #tpu.memory_space<vmem>>, %arg12: memref<16x128xi32, #tpu.memory_space<vmem>>, %arg13: memref<128x128xf32, #tpu.memory_space<vmem>>, %arg14: memref<128x16xf32, #tpu.memory_space<vmem>>, %arg15: memref<128x16xf32, #tpu.memory_space<vmem>>, %arg16: memref<128x16xf32, #tpu.memory_space<vmem>>, %arg17: memref<!tpu.dma_semaphore, #tpu.memory_space<semaphore_mem>>, %arg18: memref<!tpu.dma_semaphore, #tpu.memory_space<semaphore_mem>>) attributes {dimension_semantics = [#tpu.dimension_semantics<core_parallel>, #tpu.dimension_semantics<subcore_parallel>], iteration_bounds = array<i64: 2, 16>, scalar_prefetch = 0 : i64, scratch_operands = 10 : i64, tpu.core_type = #tpu.core_type<sc_vector_subcore>, window_params = [{transform_indices = #map}, {transform_indices = #map}, {transform_indices = #map}, {transform_indices = #map}, {transform_indices = #map}, {transform_indices = #map1}, {transform_indices = #map1}]} {
    %mul3A = arith.constant 16 : i32
    %mul3A_0 = arith.muli %arg0, %mul3A : i32
    %add3A = arith.addi %mul3A_0, %arg1 : i32
    %broadcast_in_dim3A = arith.constant 0.000000e+00 : f32
    %broadcast_in_dim3A_1 = vector.broadcast %broadcast_in_dim3A : f32 to vector<16xf32>
    %scan3A = arith.constant 0 : i32
    %scan3A_2 = arith.constant 0 : i32
    %scan3A_3 = arith.constant 128 : i32
    %scan3A_4 = arith.addi %scan3A_2, %scan3A_3 : i32
    %scan3A_5 = arith.constant 1 : i32
    scf.for %scan3A_36 = %scan3A_2 to %scan3A_4 step %scan3A_5  : i32 {
      %swap3A = arith.index_cast %scan3A_36 : i32 to index
      %swap3A_37 = arith.constant 0 : index
      %swap3A_38 = tpu.vector_load %arg16[%swap3A, %swap3A_37] {strides = array<i32>} : memref<128x16xf32, #tpu.memory_space<vmem>>, vector<1x16xf32>,
      %swap3A_39 = vector.shape_cast %swap3A_38 : vector<1x16xf32> to vector<16xf32>
      %swap3A_40 = vector.shape_cast %broadcast_in_dim3A_1 : vector<16xf32> to vector<1x16xf32>
      tpu.vector_store %arg16[%swap3A, %swap3A_37], %swap3A_40 {strides = array<i32>} : memref<128x16xf32, #tpu.memory_space<vmem>>, vector<1x16xf32>,
      %swap3A_41 = arith.index_cast %scan3A_36 : i32 to index
      %swap3A_42 = arith.constant 0 : index
      %swap3A_43 = tpu.vector_load %arg13[%swap3A_41, %swap3A_42] {strides = array<i32>} : memref<128x128xf32, #tpu.memory_space<vmem>>, vector<1x16xf32>,
      %swap3A_44 = vector.shape_cast %swap3A_43 : vector<1x16xf32> to vector<16xf32>
      %swap3A_45 = vector.shape_cast %broadcast_in_dim3A_1 : vector<16xf32> to vector<1x16xf32>
      tpu.vector_store %arg13[%swap3A_41, %swap3A_42], %swap3A_45 {strides = array<i32>} : memref<128x128xf32, #tpu.memory_space<vmem>>, vector<1x16xf32>,
      %swap3A_46 = arith.index_cast %scan3A_36 : i32 to index
      %swap3A_47 = arith.constant 16 : index
      %swap3A_48 = tpu.vector_load %arg13[%swap3A_46, %swap3A_47] {strides = array<i32>} : memref<128x128xf32, #tpu.memory_space<vmem>>, vector<1x16xf32>,
      %swap3A_49 = vector.shape_cast %swap3A_48 : vector<1x16xf32> to vector<16xf32>
      %swap3A_50 = vector.shape_cast %broadcast_in_dim3A_1 : vector<16xf32> to vector<1x16xf32>
      tpu.vector_store %arg13[%swap3A_46, %swap3A_47], %swap3A_50 {strides = array<i32>} : memref<128x128xf32, #tpu.memory_space<vmem>>, vector<1x16xf32>,
      %swap3A_51 = arith.index_cast %scan3A_36 : i32 to index
      %swap3A_52 = arith.constant 32 : index
      %swap3A_53 = tpu.vector_load %arg13[%swap3A_51, %swap3A_52] {strides = array<i32>} : memref<128x128xf32, #tpu.memory_space<vmem>>, vector<1x16xf32>,
      %swap3A_54 = vector.shape_cast %swap3A_53 : vector<1x16xf32> to vector<16xf32>
      %swap3A_55 = vector.shape_cast %broadcast_in_dim3A_1 : vector<16xf32> to vector<1x16xf32>
      tpu.vector_store %arg13[%swap3A_51, %swap3A_52], %swap3A_55 {strides = array<i32>} : memref<128x128xf32, #tpu.memory_space<vmem>>, vector<1x16xf32>,
      %swap3A_56 = arith.index_cast %scan3A_36 : i32 to index
      %swap3A_57 = arith.constant 48 : index
      %swap3A_58 = tpu.vector_load %arg13[%swap3A_56, %swap3A_57] {strides = array<i32>} : memref<128x128xf32, #tpu.memory_space<vmem>>, vector<1x16xf32>,
      %swap3A_59 = vector.shape_cast %swap3A_58 : vector<1x16xf32> to vector<16xf32>
      %swap3A_60 = vector.shape_cast %broadcast_in_dim3A_1 : vector<16xf32> to vector<1x16xf32>
      tpu.vector_store %arg13[%swap3A_56, %swap3A_57], %swap3A_60 {strides = array<i32>} : memref<128x128xf32, #tpu.memory_space<vmem>>, vector<1x16xf32>,
      %swap3A_61 = arith.index_cast %scan3A_36 : i32 to index
      %swap3A_62 = arith.constant 64 : index
      %swap3A_63 = tpu.vector_load %arg13[%swap3A_61, %swap3A_62] {strides = array<i32>} : memref<128x128xf32, #tpu.memory_space<vmem>>, vector<1x16xf32>,
      %swap3A_64 = vector.shape_cast %swap3A_63 : vector<1x16xf32> to vector<16xf32>
      %swap3A_65 = vector.shape_cast %broadcast_in_dim3A_1 : vector<16xf32> to vector<1x16xf32>
      tpu.vector_store %arg13[%swap3A_61, %swap3A_62], %swap3A_65 {strides = array<i32>} : memref<128x128xf32, #tpu.memory_space<vmem>>, vector<1x16xf32>,
      %swap3A_66 = arith.index_cast %scan3A_36 : i32 to index
      %swap3A_67 = arith.constant 80 : index
      %swap3A_68 = tpu.vector_load %arg13[%swap3A_66, %swap3A_67] {strides = array<i32>} : memref<128x128xf32, #tpu.memory_space<vmem>>, vector<1x16xf32>,
      %swap3A_69 = vector.shape_cast %swap3A_68 : vector<1x16xf32> to vector<16xf32>
      %swap3A_70 = vector.shape_cast %broadcast_in_dim3A_1 : vector<16xf32> to vector<1x16xf32>
      tpu.vector_store %arg13[%swap3A_66, %swap3A_67], %swap3A_70 {strides = array<i32>} : memref<128x128xf32, #tpu.memory_space<vmem>>, vector<1x16xf32>,
      %swap3A_71 = arith.index_cast %scan3A_36 : i32 to index
      %swap3A_72 = arith.constant 96 : index
      %swap3A_73 = tpu.vector_load %arg13[%swap3A_71, %swap3A_72] {strides = array<i32>} : memref<128x128xf32, #tpu.memory_space<vmem>>, vector<1x16xf32>,
      %swap3A_74 = vector.shape_cast %swap3A_73 : vector<1x16xf32> to vector<16xf32>
      %swap3A_75 = vector.shape_cast %broadcast_in_dim3A_1 : vector<16xf32> to vector<1x16xf32>
      tpu.vector_store %arg13[%swap3A_71, %swap3A_72], %swap3A_75 {strides = array<i32>} : memref<128x128xf32, #tpu.memory_space<vmem>>, vector<1x16xf32>,
      %swap3A_76 = arith.index_cast %scan3A_36 : i32 to index
      %swap3A_77 = arith.constant 112 : index
      %swap3A_78 = tpu.vector_load %arg13[%swap3A_76, %swap3A_77] {strides = array<i32>} : memref<128x128xf32, #tpu.memory_space<vmem>>, vector<1x16xf32>,
      %swap3A_79 = vector.shape_cast %swap3A_78 : vector<1x16xf32> to vector<16xf32>
      %swap3A_80 = vector.shape_cast %broadcast_in_dim3A_1 : vector<16xf32> to vector<1x16xf32>
      tpu.vector_store %arg13[%swap3A_76, %swap3A_77], %swap3A_80 {strides = array<i32>} : memref<128x128xf32, #tpu.memory_space<vmem>>, vector<1x16xf32>,
    }
    %scan3A_6 = arith.constant 128 : i32
    %mul3A_7 = arith.constant 640 : i32
    %mul3A_8 = arith.muli %arg1, %mul3A_7 : i32
    %add3A_9 = arith.constant 0 : i32
    %add3A_10 = arith.addi %mul3A_8, %add3A_9 : i32
    "tpu.region"() ({
      %run_scoped3A = tpu.sem_alloc : memref<!tpu.dma_semaphore, #tpu.memory_space<semaphore_mem>>
      %dma_start3A = arith.constant 0 : i32
      %dma_start3A_36 = tpu.memref_slice %arg9[%add3A_10, %dma_start3A] : memref<10240x128xf32, #tpu.memory_space<vmem_shared>> -> memref<128x128xf32, #tpu.memory_space<vmem_shared>>
      %dma_start3A_37 = arith.constant 0 : i32
      %dma_start3A_38 = tpu.memref_slice %arg9[%add3A_10, %dma_start3A_37] : memref<10240x128xf32, #tpu.memory_space<vmem_shared>> -> memref<128x128xf32, #tpu.memory_space<vmem_shared>>
      tpu.enqueue_dma source(%arg13 : memref<128x128xf32, #tpu.memory_space<vmem>>) target(%dma_start3A_38 : memref<128x128xf32, #tpu.memory_space<vmem_shared>>) target_semaphore(%run_scoped3A : memref<!tpu.dma_semaphore, #tpu.memory_space<semaphore_mem>>)
      %dma_wait3A = arith.constant 0 : i32
      %dma_wait3A_39 = tpu.memref_slice %arg9[%add3A_10, %dma_wait3A] : memref<10240x128xf32, #tpu.memory_space<vmem_shared>> -> memref<128x128xf32, #tpu.memory_space<vmem_shared>>
      %dma_wait3A_40 = arith.constant 0 : i32
      %dma_wait3A_41 = tpu.memref_slice %arg9[%add3A_10, %dma_wait3A_40] : memref<10240x128xf32, #tpu.memory_space<vmem_shared>> -> memref<128x128xf32, #tpu.memory_space<vmem_shared>>
      tpu.wait_dma2 semaphore(%run_scoped3A : memref<!tpu.dma_semaphore, #tpu.memory_space<semaphore_mem>>) src(%arg13 : memref<128x128xf32, #tpu.memory_space<vmem>>) dst(%dma_wait3A_41 : memref<128x128xf32, #tpu.memory_space<vmem_shared>>)
      tpu.yield
    }) : () -> ()
    %add3A_11 = arith.constant 0 : i32
    %add3A_12 = arith.addi %mul3A_8, %add3A_11 : i32
    "tpu.region"() ({
      %run_scoped3A = tpu.sem_alloc : memref<!tpu.dma_semaphore, #tpu.memory_space<semaphore_mem>>
      %dma_start3A = arith.constant 0 : i32
      %dma_start3A_36 = tpu.memref_slice %arg10[%add3A_12, %dma_start3A] : memref<10240x16xf32, #tpu.memory_space<vmem_shared>> -> memref<128x16xf32, #tpu.memory_space<vmem_shared>>
      %dma_start3A_37 = arith.constant 0 : i32
      %dma_start3A_38 = tpu.memref_slice %arg10[%add3A_12, %dma_start3A_37] : memref<10240x16xf32, #tpu.memory_space<vmem_shared>> -> memref<128x16xf32, #tpu.memory_space<vmem_shared>>
      tpu.enqueue_dma source(%arg16 : memref<128x16xf32, #tpu.memory_space<vmem>>) target(%dma_start3A_38 : memref<128x16xf32, #tpu.memory_space<vmem_shared>>) target_semaphore(%run_scoped3A : memref<!tpu.dma_semaphore, #tpu.memory_space<semaphore_mem>>)
      %dma_wait3A = arith.constant 0 : i32
      %dma_wait3A_39 = tpu.memref_slice %arg10[%add3A_12, %dma_wait3A] : memref<10240x16xf32, #tpu.memory_space<vmem_shared>> -> memref<128x16xf32, #tpu.memory_space<vmem_shared>>
      %dma_wait3A_40 = arith.constant 0 : i32
      %dma_wait3A_41 = tpu.memref_slice %arg10[%add3A_12, %dma_wait3A_40] : memref<10240x16xf32, #tpu.memory_space<vmem_shared>> -> memref<128x16xf32, #tpu.memory_space<vmem_shared>>
      tpu.wait_dma2 semaphore(%run_scoped3A : memref<!tpu.dma_semaphore, #tpu.memory_space<semaphore_mem>>) src(%arg16 : memref<128x16xf32, #tpu.memory_space<vmem>>) dst(%dma_wait3A_41 : memref<128x16xf32, #tpu.memory_space<vmem_shared>>)
      tpu.yield
    }) : () -> ()
    %add3A_13 = arith.constant 128 : i32
    %add3A_14 = arith.addi %mul3A_8, %add3A_13 : i32
    "tpu.region"() ({
      %run_scoped3A = tpu.sem_alloc : memref<!tpu.dma_semaphore, #tpu.memory_space<semaphore_mem>>
      %dma_start3A = arith.constant 0 : i32
      %dma_start3A_36 = tpu.memref_slice %arg9[%add3A_14, %dma_start3A] : memref<10240x128xf32, #tpu.memory_space<vmem_shared>> -> memref<128x128xf32, #tpu.memory_space<vmem_shared>>
      %dma_start3A_37 = arith.constant 0 : i32
      %dma_start3A_38 = tpu.memref_slice %arg9[%add3A_14, %dma_start3A_37] : memref<10240x128xf32, #tpu.memory_space<vmem_shared>> -> memref<128x128xf32, #tpu.memory_space<vmem_shared>>
      tpu.enqueue_dma source(%arg13 : memref<128x128xf32, #tpu.memory_space<vmem>>) target(%dma_start3A_38 : memref<128x128xf32, #tpu.memory_space<vmem_shared>>) target_semaphore(%run_scoped3A : memref<!tpu.dma_semaphore, #tpu.memory_space<semaphore_mem>>)
      %dma_wait3A = arith.constant 0 : i32
      %dma_wait3A_39 = tpu.memref_slice %arg9[%add3A_14, %dma_wait3A] : memref<10240x128xf32, #tpu.memory_space<vmem_shared>> -> memref<128x128xf32, #tpu.memory_space<vmem_shared>>
      %dma_wait3A_40 = arith.constant 0 : i32
      %dma_wait3A_41 = tpu.memref_slice %arg9[%add3A_14, %dma_wait3A_40] : memref<10240x128xf32, #tpu.memory_space<vmem_shared>> -> memref<128x128xf32, #tpu.memory_space<vmem_shared>>
      tpu.wait_dma2 semaphore(%run_scoped3A : memref<!tpu.dma_semaphore, #tpu.memory_space<semaphore_mem>>) src(%arg13 : memref<128x128xf32, #tpu.memory_space<vmem>>) dst(%dma_wait3A_41 : memref<128x128xf32, #tpu.memory_space<vmem_shared>>)
      tpu.yield
    }) : () -> ()
    %add3A_15 = arith.constant 128 : i32
    %add3A_16 = arith.addi %mul3A_8, %add3A_15 : i32
    "tpu.region"() ({
      %run_scoped3A = tpu.sem_alloc : memref<!tpu.dma_semaphore, #tpu.memory_space<semaphore_mem>>
      %dma_start3A = arith.constant 0 : i32
      %dma_start3A_36 = tpu.memref_slice %arg10[%add3A_16, %dma_start3A] : memref<10240x16xf32, #tpu.memory_space<vmem_shared>> -> memref<128x16xf32, #tpu.memory_space<vmem_shared>>
      %dma_start3A_37 = arith.constant 0 : i32
      %dma_start3A_38 = tpu.memref_slice %arg10[%add3A_16, %dma_start3A_37] : memref<10240x16xf32, #tpu.memory_space<vmem_shared>> -> memref<128x16xf32, #tpu.memory_space<vmem_shared>>
      tpu.enqueue_dma source(%arg16 : memref<128x16xf32, #tpu.memory_space<vmem>>) target(%dma_start3A_38 : memref<128x16xf32, #tpu.memory_space<vmem_shared>>) target_semaphore(%run_scoped3A : memref<!tpu.dma_semaphore, #tpu.memory_space<semaphore_mem>>)
      %dma_wait3A = arith.constant 0 : i32
      %dma_wait3A_39 = tpu.memref_slice %arg10[%add3A_16, %dma_wait3A] : memref<10240x16xf32, #tpu.memory_space<vmem_shared>> -> memref<128x16xf32, #tpu.memory_space<vmem_shared>>
      %dma_wait3A_40 = arith.constant 0 : i32
      %dma_wait3A_41 = tpu.memref_slice %arg10[%add3A_16, %dma_wait3A_40] : memref<10240x16xf32, #tpu.memory_space<vmem_shared>> -> memref<128x16xf32, #tpu.memory_space<vmem_shared>>
      tpu.wait_dma2 semaphore(%run_scoped3A : memref<!tpu.dma_semaphore, #tpu.memory_space<semaphore_mem>>) src(%arg16 : memref<128x16xf32, #tpu.memory_space<vmem>>) dst(%dma_wait3A_41 : memref<128x16xf32, #tpu.memory_space<vmem_shared>>)
      tpu.yield
    }) : () -> ()
    %add3A_17 = arith.constant 256 : i32
    %add3A_18 = arith.addi %mul3A_8, %add3A_17 : i32
    "tpu.region"() ({
      %run_scoped3A = tpu.sem_alloc : memref<!tpu.dma_semaphore, #tpu.memory_space<semaphore_mem>>
      %dma_start3A = arith.constant 0 : i32
      %dma_start3A_36 = tpu.memref_slice %arg9[%add3A_18, %dma_start3A] : memref<10240x128xf32, #tpu.memory_space<vmem_shared>> -> memref<128x128xf32, #tpu.memory_space<vmem_shared>>
      %dma_start3A_37 = arith.constant 0 : i32
      %dma_start3A_38 = tpu.memref_slice %arg9[%add3A_18, %dma_start3A_37] : memref<10240x128xf32, #tpu.memory_space<vmem_shared>> -> memref<128x128xf32, #tpu.memory_space<vmem_shared>>
      tpu.enqueue_dma source(%arg13 : memref<128x128xf32, #tpu.memory_space<vmem>>) target(%dma_start3A_38 : memref<128x128xf32, #tpu.memory_space<vmem_shared>>) target_semaphore(%run_scoped3A : memref<!tpu.dma_semaphore, #tpu.memory_space<semaphore_mem>>)
      %dma_wait3A = arith.constant 0 : i32
      %dma_wait3A_39 = tpu.memref_slice %arg9[%add3A_18, %dma_wait3A] : memref<10240x128xf32, #tpu.memory_space<vmem_shared>> -> memref<128x128xf32, #tpu.memory_space<vmem_shared>>
      %dma_wait3A_40 = arith.constant 0 : i32
      %dma_wait3A_41 = tpu.memref_slice %arg9[%add3A_18, %dma_wait3A_40] : memref<10240x128xf32, #tpu.memory_space<vmem_shared>> -> memref<128x128xf32, #tpu.memory_space<vmem_shared>>
      tpu.wait_dma2 semaphore(%run_scoped3A : memref<!tpu.dma_semaphore, #tpu.memory_space<semaphore_mem>>) src(%arg13 : memref<128x128xf32, #tpu.memory_space<vmem>>) dst(%dma_wait3A_41 : memref<128x128xf32, #tpu.memory_space<vmem_shared>>)
      tpu.yield
    }) : () -> ()
    %add3A_19 = arith.constant 256 : i32
    %add3A_20 = arith.addi %mul3A_8, %add3A_19 : i32
    "tpu.region"() ({
      %run_scoped3A = tpu.sem_alloc : memref<!tpu.dma_semaphore, #tpu.memory_space<semaphore_mem>>
      %dma_start3A = arith.constant 0 : i32
      %dma_start3A_36 = tpu.memref_slice %arg10[%add3A_20, %dma_start3A] : memref<10240x16xf32, #tpu.memory_space<vmem_shared>> -> memref<128x16xf32, #tpu.memory_space<vmem_shared>>
      %dma_start3A_37 = arith.constant 0 : i32
      %dma_start3A_38 = tpu.memref_slice %arg10[%add3A_20, %dma_start3A_37] : memref<10240x16xf32, #tpu.memory_space<vmem_shared>> -> memref<128x16xf32, #tpu.memory_space<vmem_shared>>
      tpu.enqueue_dma source(%arg16 : memref<128x16xf32, #tpu.memory_space<vmem>>) target(%dma_start3A_38 : memref<128x16xf32, #tpu.memory_space<vmem_shared>>) target_semaphore(%run_scoped3A : memref<!tpu.dma_semaphore, #tpu.memory_space<semaphore_mem>>)
      %dma_wait3A = arith.constant 0 : i32
      %dma_wait3A_39 = tpu.memref_slice %arg10[%add3A_20, %dma_wait3A] : memref<10240x16xf32, #tpu.memory_space<vmem_shared>> -> memref<128x16xf32, #tpu.memory_space<vmem_shared>>
      %dma_wait3A_40 = arith.constant 0 : i32
      %dma_wait3A_41 = tpu.memref_slice %arg10[%add3A_20, %dma_wait3A_40] : memref<10240x16xf32, #tpu.memory_space<vmem_shared>> -> memref<128x16xf32, #tpu.memory_space<vmem_shared>>
      tpu.wait_dma2 semaphore(%run_scoped3A : memref<!tpu.dma_semaphore, #tpu.memory_space<semaphore_mem>>) src(%arg16 : memref<128x16xf32, #tpu.memory_space<vmem>>) dst(%dma_wait3A_41 : memref<128x16xf32, #tpu.memory_space<vmem_shared>>)
      tpu.yield
    }) : () -> ()
    %add3A_21 = arith.constant 384 : i32
    %add3A_22 = arith.addi %mul3A_8, %add3A_21 : i32
    "tpu.region"() ({
      %run_scoped3A = tpu.sem_alloc : memref<!tpu.dma_semaphore, #tpu.memory_space<semaphore_mem>>
      %dma_start3A = arith.constant 0 : i32
      %dma_start3A_36 = tpu.memref_slice %arg9[%add3A_22, %dma_start3A] : memref<10240x128xf32, #tpu.memory_space<vmem_shared>> -> memref<128x128xf32, #tpu.memory_space<vmem_shared>>
      %dma_start3A_37 = arith.constant 0 : i32
      %dma_start3A_38 = tpu.memref_slice %arg9[%add3A_22, %dma_start3A_37] : memref<10240x128xf32, #tpu.memory_space<vmem_shared>> -> memref<128x128xf32, #tpu.memory_space<vmem_shared>>
      tpu.enqueue_dma source(%arg13 : memref<128x128xf32, #tpu.memory_space<vmem>>) target(%dma_start3A_38 : memref<128x128xf32, #tpu.memory_space<vmem_shared>>) target_semaphore(%run_scoped3A : memref<!tpu.dma_semaphore, #tpu.memory_space<semaphore_mem>>)
      %dma_wait3A = arith.constant 0 : i32
      %dma_wait3A_39 = tpu.memref_slice %arg9[%add3A_22, %dma_wait3A] : memref<10240x128xf32, #tpu.memory_space<vmem_shared>> -> memref<128x128xf32, #tpu.memory_space<vmem_shared>>
      %dma_wait3A_40 = arith.constant 0 : i32
      %dma_wait3A_41 = tpu.memref_slice %arg9[%add3A_22, %dma_wait3A_40] : memref<10240x128xf32, #tpu.memory_space<vmem_shared>> -> memref<128x128xf32, #tpu.memory_space<vmem_shared>>
      tpu.wait_dma2 semaphore(%run_scoped3A : memref<!tpu.dma_semaphore, #tpu.memory_space<semaphore_mem>>) src(%arg13 : memref<128x128xf32, #tpu.memory_space<vmem>>) dst(%dma_wait3A_41 : memref<128x128xf32, #tpu.memory_space<vmem_shared>>)
      tpu.yield
    }) : () -> ()
    %add3A_23 = arith.constant 384 : i32
    %add3A_24 = arith.addi %mul3A_8, %add3A_23 : i32
    "tpu.region"() ({
      %run_scoped3A = tpu.sem_alloc : memref<!tpu.dma_semaphore, #tpu.memory_space<semaphore_mem>>
      %dma_start3A = arith.constant 0 : i32
      %dma_start3A_36 = tpu.memref_slice %arg10[%add3A_24, %dma_start3A] : memref<10240x16xf32, #tpu.memory_space<vmem_shared>> -> memref<128x16xf32, #tpu.memory_space<vmem_shared>>
      %dma_start3A_37 = arith.constant 0 : i32
      %dma_start3A_38 = tpu.memref_slice %arg10[%add3A_24, %dma_start3A_37] : memref<10240x16xf32, #tpu.memory_space<vmem_shared>> -> memref<128x16xf32, #tpu.memory_space<vmem_shared>>
      tpu.enqueue_dma source(%arg16 : memref<128x16xf32, #tpu.memory_space<vmem>>) target(%dma_start3A_38 : memref<128x16xf32, #tpu.memory_space<vmem_shared>>) target_semaphore(%run_scoped3A : memref<!tpu.dma_semaphore, #tpu.memory_space<semaphore_mem>>)
      %dma_wait3A = arith.constant 0 : i32
      %dma_wait3A_39 = tpu.memref_slice %arg10[%add3A_24, %dma_wait3A] : memref<10240x16xf32, #tpu.memory_space<vmem_shared>> -> memref<128x16xf32, #tpu.memory_space<vmem_shared>>
      %dma_wait3A_40 = arith.constant 0 : i32
      %dma_wait3A_41 = tpu.memref_slice %arg10[%add3A_24, %dma_wait3A_40] : memref<10240x16xf32, #tpu.memory_space<vmem_shared>> -> memref<128x16xf32, #tpu.memory_space<vmem_shared>>
      tpu.wait_dma2 semaphore(%run_scoped3A : memref<!tpu.dma_semaphore, #tpu.memory_space<semaphore_mem>>) src(%arg16 : memref<128x16xf32, #tpu.memory_space<vmem>>) dst(%dma_wait3A_41 : memref<128x16xf32, #tpu.memory_space<vmem_shared>>)
      tpu.yield
    }) : () -> ()
    %add3A_25 = arith.constant 512 : i32
    %add3A_26 = arith.addi %mul3A_8, %add3A_25 : i32
    "tpu.region"() ({
      %run_scoped3A = tpu.sem_alloc : memref<!tpu.dma_semaphore, #tpu.memory_space<semaphore_mem>>
      %dma_start3A = arith.constant 0 : i32
      %dma_start3A_36 = tpu.memref_slice %arg9[%add3A_26, %dma_start3A] : memref<10240x128xf32, #tpu.memory_space<vmem_shared>> -> memref<128x128xf32, #tpu.memory_space<vmem_shared>>
      %dma_start3A_37 = arith.constant 0 : i32
      %dma_start3A_38 = tpu.memref_slice %arg9[%add3A_26, %dma_start3A_37] : memref<10240x128xf32, #tpu.memory_space<vmem_shared>> -> memref<128x128xf32, #tpu.memory_space<vmem_shared>>
      tpu.enqueue_dma source(%arg13 : memref<128x128xf32, #tpu.memory_space<vmem>>) target(%dma_start3A_38 : memref<128x128xf32, #tpu.memory_space<vmem_shared>>) target_semaphore(%run_scoped3A : memref<!tpu.dma_semaphore, #tpu.memory_space<semaphore_mem>>)
      %dma_wait3A = arith.constant 0 : i32
      %dma_wait3A_39 = tpu.memref_slice %arg9[%add3A_26, %dma_wait3A] : memref<10240x128xf32, #tpu.memory_space<vmem_shared>> -> memref<128x128xf32, #tpu.memory_space<vmem_shared>>
      %dma_wait3A_40 = arith.constant 0 : i32
      %dma_wait3A_41 = tpu.memref_slice %arg9[%add3A_26, %dma_wait3A_40] : memref<10240x128xf32, #tpu.memory_space<vmem_shared>> -> memref<128x128xf32, #tpu.memory_space<vmem_shared>>
      tpu.wait_dma2 semaphore(%run_scoped3A : memref<!tpu.dma_semaphore, #tpu.memory_space<semaphore_mem>>) src(%arg13 : memref<128x128xf32, #tpu.memory_space<vmem>>) dst(%dma_wait3A_41 : memref<128x128xf32, #tpu.memory_space<vmem_shared>>)
      tpu.yield
    }) : () -> ()
    %add3A_27 = arith.constant 512 : i32
    %add3A_28 = arith.addi %mul3A_8, %add3A_27 : i32
    "tpu.region"() ({
      %run_scoped3A = tpu.sem_alloc : memref<!tpu.dma_semaphore, #tpu.memory_space<semaphore_mem>>
      %dma_start3A = arith.constant 0 : i32
      %dma_start3A_36 = tpu.memref_slice %arg10[%add3A_28, %dma_start3A] : memref<10240x16xf32, #tpu.memory_space<vmem_shared>> -> memref<128x16xf32, #tpu.memory_space<vmem_shared>>
      %dma_start3A_37 = arith.constant 0 : i32
      %dma_start3A_38 = tpu.memref_slice %arg10[%add3A_28, %dma_start3A_37] : memref<10240x16xf32, #tpu.memory_space<vmem_shared>> -> memref<128x16xf32, #tpu.memory_space<vmem_shared>>
      tpu.enqueue_dma source(%arg16 : memref<128x16xf32, #tpu.memory_space<vmem>>) target(%dma_start3A_38 : memref<128x16xf32, #tpu.memory_space<vmem_shared>>) target_semaphore(%run_scoped3A : memref<!tpu.dma_semaphore, #tpu.memory_space<semaphore_mem>>)
      %dma_wait3A = arith.constant 0 : i32
      %dma_wait3A_39 = tpu.memref_slice %arg10[%add3A_28, %dma_wait3A] : memref<10240x16xf32, #tpu.memory_space<vmem_shared>> -> memref<128x16xf32, #tpu.memory_space<vmem_shared>>
      %dma_wait3A_40 = arith.constant 0 : i32
      %dma_wait3A_41 = tpu.memref_slice %arg10[%add3A_28, %dma_wait3A_40] : memref<10240x16xf32, #tpu.memory_space<vmem_shared>> -> memref<128x16xf32, #tpu.memory_space<vmem_shared>>
      tpu.wait_dma2 semaphore(%run_scoped3A : memref<!tpu.dma_semaphore, #tpu.memory_space<semaphore_mem>>) src(%arg16 : memref<128x16xf32, #tpu.memory_space<vmem>>) dst(%dma_wait3A_41 : memref<128x16xf32, #tpu.memory_space<vmem_shared>>)
      tpu.yield
    }) : () -> ()
    %barrier3A = arith.constant 0 : index
    tpu.barrier barrier_id(%barrier3A)
    %scan3A_29 = arith.constant 0 : i32
    %scan3A_30 = arith.constant 0 : i32
    %scan3A_31 = arith.constant 5 : i32
    %scan3A_32 = arith.addi %scan3A_30, %scan3A_31 : i32
    %scan3A_33 = arith.constant 1 : i32
    scf.for %scan3A_36 = %scan3A_30 to %scan3A_32 step %scan3A_33  : i32 {
      %mul3A_37 = arith.constant 80 : i32
      %mul3A_38 = arith.muli %add3A, %mul3A_37 : i32
      %mul3A_39 = arith.constant 16 : i32
      %mul3A_40 = arith.muli %scan3A_36, %mul3A_39 : i32
      %add3A_41 = arith.addi %mul3A_38, %mul3A_40 : i32
      "tpu.region"() ({
        %run_scoped3A = tpu.sem_alloc : memref<!tpu.dma_semaphore, #tpu.memory_space<semaphore_mem>>
        %dma_start3A = arith.constant 0 : i32
        %dma_start3A_48 = tpu.memref_slice %arg5[%add3A_41, %dma_start3A] : memref<2560x128xi32, #tpu.memory_space<hbm>> -> memref<16x128xi32, #tpu.memory_space<hbm>>
        %dma_start3A_49 = arith.constant 0 : i32
        %dma_start3A_50 = tpu.memref_slice %arg5[%add3A_41, %dma_start3A_49] : memref<2560x128xi32, #tpu.memory_space<hbm>> -> memref<16x128xi32, #tpu.memory_space<hbm>>
        tpu.enqueue_dma source(%dma_start3A_50 : memref<16x128xi32, #tpu.memory_space<hbm>>) target(%arg11 : memref<16x128xi32, #tpu.memory_space<vmem>>) target_semaphore(%run_scoped3A : memref<!tpu.dma_semaphore, #tpu.memory_space<semaphore_mem>>)
        %dma_wait3A = arith.constant 0 : i32
        %dma_wait3A_51 = tpu.memref_slice %arg5[%add3A_41, %dma_wait3A] : memref<2560x128xi32, #tpu.memory_space<hbm>> -> memref<16x128xi32, #tpu.memory_space<hbm>>
        %dma_wait3A_52 = arith.constant 0 : i32
        %dma_wait3A_53 = tpu.memref_slice %arg5[%add3A_41, %dma_wait3A_52] : memref<2560x128xi32, #tpu.memory_space<hbm>> -> memref<16x128xi32, #tpu.memory_space<hbm>>
        tpu.wait_dma2 semaphore(%run_scoped3A : memref<!tpu.dma_semaphore, #tpu.memory_space<semaphore_mem>>) src(%dma_wait3A_53 : memref<16x128xi32, #tpu.memory_space<hbm>>) dst(%arg11 : memref<16x128xi32, #tpu.memory_space<vmem>>)
        tpu.yield
      }) : () -> ()
      "tpu.region"() ({
        %run_scoped3A = tpu.sem_alloc : memref<!tpu.dma_semaphore, #tpu.memory_space<semaphore_mem>>
        %dma_start3A = arith.constant 0 : i32
        %dma_start3A_48 = tpu.memref_slice %arg6[%add3A_41, %dma_start3A] : memref<2560x128xi32, #tpu.memory_space<hbm>> -> memref<16x128xi32, #tpu.memory_space<hbm>>
        %dma_start3A_49 = arith.constant 0 : i32
        %dma_start3A_50 = tpu.memref_slice %arg6[%add3A_41, %dma_start3A_49] : memref<2560x128xi32, #tpu.memory_space<hbm>> -> memref<16x128xi32, #tpu.memory_space<hbm>>
        tpu.enqueue_dma source(%dma_start3A_50 : memref<16x128xi32, #tpu.memory_space<hbm>>) target(%arg12 : memref<16x128xi32, #tpu.memory_space<vmem>>) target_semaphore(%run_scoped3A : memref<!tpu.dma_semaphore, #tpu.memory_space<semaphore_mem>>)
        %dma_wait3A = arith.constant 0 : i32
        %dma_wait3A_51 = tpu.memref_slice %arg6[%add3A_41, %dma_wait3A] : memref<2560x128xi32, #tpu.memory_space<hbm>> -> memref<16x128xi32, #tpu.memory_space<hbm>>
        %dma_wait3A_52 = arith.constant 0 : i32
        %dma_wait3A_53 = tpu.memref_slice %arg6[%add3A_41, %dma_wait3A_52] : memref<2560x128xi32, #tpu.memory_space<hbm>> -> memref<16x128xi32, #tpu.memory_space<hbm>>
        tpu.wait_dma2 semaphore(%run_scoped3A : memref<!tpu.dma_semaphore, #tpu.memory_space<semaphore_mem>>) src(%dma_wait3A_53 : memref<16x128xi32, #tpu.memory_space<hbm>>) dst(%arg12 : memref<16x128xi32, #tpu.memory_space<vmem>>)
        tpu.yield
      }) : () -> ()
      %scan3A_42 = arith.constant 0 : i32
      %scan3A_43 = arith.constant 0 : i32
      %scan3A_44 = arith.constant 16 : i32
      %scan3A_45 = arith.addi %scan3A_43, %scan3A_44 : i32
      %scan3A_46 = arith.constant 1 : i32
      scf.for %scan3A_48 = %scan3A_43 to %scan3A_45 step %scan3A_46  : i32 {
        %dma_start3A = arith.constant 0 : i32
        %dma_start3A_49 = tpu.memref_slice %arg11[%scan3A_48, %dma_start3A] : memref<16x128xi32, #tpu.memory_space<vmem>> -> memref<1x128xi32, #tpu.memory_space<vmem>>
        %dma_start3A_50 = tpu.memref_squeeze %dma_start3A_49 : memref<1x128xi32, #tpu.memory_space<vmem>> -> memref<128xi32, #tpu.memory_space<vmem>>
        %dma_start3A_51 = arith.constant 0 : i32
        %dma_start3A_52 = arith.constant 0 : i32
        %dma_start3A_53 = tpu.memref_slice %arg2[%dma_start3A_51, %dma_start3A_52] : memref<10240x128xf32, #tpu.memory_space<hbm>> -> memref<10240x128xf32, #tpu.memory_space<hbm>>
        tpu.enqueue_indirect_dma source(%dma_start3A_53 : memref<10240x128xf32, #tpu.memory_space<hbm>>) target(%arg13 : memref<128x128xf32, #tpu.memory_space<vmem>>) offsets(%dma_start3A_50 : memref<128xi32, #tpu.memory_space<vmem>>) semaphore(%arg17 : memref<!tpu.dma_semaphore, #tpu.memory_space<semaphore_mem>>)
        %dma_start3A_54 = arith.constant 0 : i32
        %dma_start3A_55 = tpu.memref_slice %arg11[%scan3A_48, %dma_start3A_54] : memref<16x128xi32, #tpu.memory_space<vmem>> -> memref<1x128xi32, #tpu.memory_space<vmem>>
        %dma_start3A_56 = tpu.memref_squeeze %dma_start3A_55 : memref<1x128xi32, #tpu.memory_space<vmem>> -> memref<128xi32, #tpu.memory_space<vmem>>
        %dma_start3A_57 = arith.constant 0 : i32
        %dma_start3A_58 = arith.constant 0 : i32
        %dma_start3A_59 = tpu.memref_slice %arg3[%dma_start3A_57, %dma_start3A_58] : memref<10240x16xf32, #tpu.memory_space<hbm>> -> memref<10240x16xf32, #tpu.memory_space<hbm>>
        tpu.enqueue_indirect_dma source(%dma_start3A_59 : memref<10240x16xf32, #tpu.memory_space<hbm>>) target(%arg14 : memref<128x16xf32, #tpu.memory_space<vmem>>) offsets(%dma_start3A_56 : memref<128xi32, #tpu.memory_space<vmem>>) semaphore(%arg18 : memref<!tpu.dma_semaphore, #tpu.memory_space<semaphore_mem>>)
        %dma_start3A_60 = arith.constant 0 : i32
        %dma_start3A_61 = tpu.memref_slice %arg12[%scan3A_48, %dma_start3A_60] : memref<16x128xi32, #tpu.memory_space<vmem>> -> memref<1x128xi32, #tpu.memory_space<vmem>>
        %dma_start3A_62 = tpu.memref_squeeze %dma_start3A_61 : memref<1x128xi32, #tpu.memory_space<vmem>> -> memref<128xi32, #tpu.memory_space<vmem>>
        %dma_start3A_63 = arith.constant 0 : i32
        %dma_start3A_64 = arith.constant 0 : i32
        %dma_start3A_65 = tpu.memref_slice %arg4[%dma_start3A_63, %dma_start3A_64] : memref<10240x16xf32, #tpu.memory_space<hbm>> -> memref<10240x16xf32, #tpu.memory_space<hbm>>
        tpu.enqueue_indirect_dma source(%dma_start3A_65 : memref<10240x16xf32, #tpu.memory_space<hbm>>) target(%arg15 : memref<128x16xf32, #tpu.memory_space<vmem>>) offsets(%dma_start3A_62 : memref<128xi32, #tpu.memory_space<vmem>>) semaphore(%arg18 : memref<!tpu.dma_semaphore, #tpu.memory_space<semaphore_mem>>)
        %dma_wait3A = arith.constant 0 : i32
        %dma_wait3A_66 = tpu.memref_slice %arg11[%scan3A_48, %dma_wait3A] : memref<16x128xi32, #tpu.memory_space<vmem>> -> memref<1x128xi32, #tpu.memory_space<vmem>>
        %dma_wait3A_67 = tpu.memref_squeeze %dma_wait3A_66 : memref<1x128xi32, #tpu.memory_space<vmem>> -> memref<128xi32, #tpu.memory_space<vmem>>
        %dma_wait3A_68 = arith.constant 0 : i32
        %dma_wait3A_69 = arith.constant 0 : i32
        %dma_wait3A_70 = tpu.memref_slice %arg3[%dma_wait3A_68, %dma_wait3A_69] : memref<10240x16xf32, #tpu.memory_space<hbm>> -> memref<10240x16xf32, #tpu.memory_space<hbm>>
        tpu.wait_indirect_dma semaphore(%arg18 : memref<!tpu.dma_semaphore, #tpu.memory_space<semaphore_mem>>) src(%dma_wait3A_70 : memref<10240x16xf32, #tpu.memory_space<hbm>>) dst(%arg14 : memref<128x16xf32, #tpu.memory_space<vmem>>)
        %dma_wait3A_71 = arith.constant 0 : i32
        %dma_wait3A_72 = tpu.memref_slice %arg12[%scan3A_48, %dma_wait3A_71] : memref<16x128xi32, #tpu.memory_space<vmem>> -> memref<1x128xi32, #tpu.memory_space<vmem>>
        %dma_wait3A_73 = tpu.memref_squeeze %dma_wait3A_72 : memref<1x128xi32, #tpu.memory_space<vmem>> -> memref<128xi32, #tpu.memory_space<vmem>>
        %dma_wait3A_74 = arith.constant 0 : i32
        %dma_wait3A_75 = arith.constant 0 : i32
        %dma_wait3A_76 = tpu.memref_slice %arg4[%dma_wait3A_74, %dma_wait3A_75] : memref<10240x16xf32, #tpu.memory_space<hbm>> -> memref<10240x16xf32, #tpu.memory_space<hbm>>
        tpu.wait_indirect_dma semaphore(%arg18 : memref<!tpu.dma_semaphore, #tpu.memory_space<semaphore_mem>>) src(%dma_wait3A_76 : memref<10240x16xf32, #tpu.memory_space<hbm>>) dst(%arg15 : memref<128x16xf32, #tpu.memory_space<vmem>>)
        %scan3A_77 = arith.constant 0 : i32
        %scan3A_78 = arith.constant 0 : i32
        %scan3A_79 = arith.constant 128 : i32
        %scan3A_80 = arith.addi %scan3A_78, %scan3A_79 : i32
        %scan3A_81 = arith.constant 1 : i32
        scf.for %scan3A_95 = %scan3A_78 to %scan3A_80 step %scan3A_81  : i32 {
          %get3A = arith.index_cast %scan3A_95 : i32 to index
          %get3A_96 = arith.constant 0 : index
          %get3A_97 = tpu.vector_load %arg14[%get3A, %get3A_96] {strides = array<i32>} : memref<128x16xf32, #tpu.memory_space<vmem>>, vector<1x16xf32>,
          %get3A_98 = vector.shape_cast %get3A_97 : vector<1x16xf32> to vector<16xf32>
          %get3A_99 = arith.index_cast %scan3A_95 : i32 to index
          %get3A_100 = arith.constant 0 : index
          %get3A_101 = tpu.vector_load %arg15[%get3A_99, %get3A_100] {strides = array<i32>} : memref<128x16xf32, #tpu.memory_space<vmem>>, vector<1x16xf32>,
          %get3A_102 = vector.shape_cast %get3A_101 : vector<1x16xf32> to vector<16xf32>
          %add3A_103 = arith.addf %get3A_98, %get3A_102 : vector<16xf32>
          %mul3A_104 = arith.constant 2.000000e-01 : f32
          %mul3A_105 = vector.broadcast %mul3A_104 : f32 to vector<16xf32>
          %mul3A_106 = arith.mulf %mul3A_105, %add3A_103 : vector<16xf32>
          %max3A = arith.maximumf %add3A_103, %mul3A_106 : vector<16xf32>
          %exp3A = math.exp %max3A : vector<16xf32>
          %swap3A = arith.index_cast %scan3A_95 : i32 to index
          %swap3A_107 = arith.constant 0 : index
          %swap3A_108 = tpu.vector_load %arg16[%swap3A, %swap3A_107] {strides = array<i32>} : memref<128x16xf32, #tpu.memory_space<vmem>>, vector<1x16xf32>,
          %swap3A_109 = vector.shape_cast %swap3A_108 : vector<1x16xf32> to vector<16xf32>
          %swap3A_110 = vector.shape_cast %exp3A : vector<16xf32> to vector<1x16xf32>
          tpu.vector_store %arg16[%swap3A, %swap3A_107], %swap3A_110 {strides = array<i32>} : memref<128x16xf32, #tpu.memory_space<vmem>>, vector<1x16xf32>,
        }
        %scan3A_82 = arith.constant 128 : i32
        %dma_wait3A_83 = arith.constant 0 : i32
        %dma_wait3A_84 = tpu.memref_slice %arg11[%scan3A_48, %dma_wait3A_83] : memref<16x128xi32, #tpu.memory_space<vmem>> -> memref<1x128xi32, #tpu.memory_space<vmem>>
        %dma_wait3A_85 = tpu.memref_squeeze %dma_wait3A_84 : memref<1x128xi32, #tpu.memory_space<vmem>> -> memref<128xi32, #tpu.memory_space<vmem>>
        %dma_wait3A_86 = arith.constant 0 : i32
        %dma_wait3A_87 = arith.constant 0 : i32
        %dma_wait3A_88 = tpu.memref_slice %arg2[%dma_wait3A_86, %dma_wait3A_87] : memref<10240x128xf32, #tpu.memory_space<hbm>> -> memref<10240x128xf32, #tpu.memory_space<hbm>>
        tpu.wait_indirect_dma semaphore(%arg17 : memref<!tpu.dma_semaphore, #tpu.memory_space<semaphore_mem>>) src(%dma_wait3A_88 : memref<10240x128xf32, #tpu.memory_space<hbm>>) dst(%arg13 : memref<128x128xf32, #tpu.memory_space<vmem>>)
        %scan3A_89 = arith.constant 0 : i32
        %scan3A_90 = arith.constant 0 : i32
        %scan3A_91 = arith.constant 128 : i32
        %scan3A_92 = arith.addi %scan3A_90, %scan3A_91 : i32
        %scan3A_93 = arith.constant 1 : i32
        scf.for %scan3A_95 = %scan3A_90 to %scan3A_92 step %scan3A_93  : i32 {
          %get3A = arith.index_cast %scan3A_95 : i32 to index
          %get3A_96 = arith.constant 0 : index
          %get3A_97 = tpu.vector_load %arg16[%get3A, %get3A_96] {strides = array<i32>} : memref<128x16xf32, #tpu.memory_space<vmem>>, vector<1x16xf32>,
          %get3A_98 = vector.shape_cast %get3A_97 : vector<1x16xf32> to vector<16xf32>
          %get3A_99 = arith.index_cast %scan3A_95 : i32 to index
          %get3A_100 = arith.constant 0 : index
          %get3A_101 = tpu.vector_load %arg13[%get3A_99, %get3A_100] {strides = array<i32>} : memref<128x128xf32, #tpu.memory_space<vmem>>, vector<1x16xf32>,
          %get3A_102 = vector.shape_cast %get3A_101 : vector<1x16xf32> to vector<16xf32>
          %slice3A = vector.extract_strided_slice %get3A_98 {offsets = [0], sizes = [1], strides = [1]} : vector<16xf32> to vector<1xf32>
          %squeeze3A = vector.extract %slice3A[0] : f32 from vector<1xf32>
          %mul3A_103 = vector.broadcast %squeeze3A : f32 to vector<16xf32>
          %mul3A_104 = arith.mulf %get3A_102, %mul3A_103 : vector<16xf32>
          %swap3A = arith.index_cast %scan3A_95 : i32 to index
          %swap3A_105 = arith.constant 0 : index
          %swap3A_106 = tpu.vector_load %arg13[%swap3A, %swap3A_105] {strides = array<i32>} : memref<128x128xf32, #tpu.memory_space<vmem>>, vector<1x16xf32>,
          %swap3A_107 = vector.shape_cast %swap3A_106 : vector<1x16xf32> to vector<16xf32>
          %swap3A_108 = vector.shape_cast %mul3A_104 : vector<16xf32> to vector<1x16xf32>
          tpu.vector_store %arg13[%swap3A, %swap3A_105], %swap3A_108 {strides = array<i32>} : memref<128x128xf32, #tpu.memory_space<vmem>>, vector<1x16xf32>,
          %get3A_109 = arith.index_cast %scan3A_95 : i32 to index
          %get3A_110 = arith.constant 16 : index
          %get3A_111 = tpu.vector_load %arg13[%get3A_109, %get3A_110] {strides = array<i32>} : memref<128x128xf32, #tpu.memory_space<vmem>>, vector<1x16xf32>,
          %get3A_112 = vector.shape_cast %get3A_111 : vector<1x16xf32> to vector<16xf32>
          %slice3A_113 = vector.extract_strided_slice %get3A_98 {offsets = [1], sizes = [1], strides = [1]} : vector<16xf32> to vector<1xf32>
          %squeeze3A_114 = vector.extract %slice3A_113[0] : f32 from vector<1xf32>
          %mul3A_115 = vector.broadcast %squeeze3A_114 : f32 to vector<16xf32>
          %mul3A_116 = arith.mulf %get3A_112, %mul3A_115 : vector<16xf32>
          %swap3A_117 = arith.index_cast %scan3A_95 : i32 to index
          %swap3A_118 = arith.constant 16 : index
          %swap3A_119 = tpu.vector_load %arg13[%swap3A_117, %swap3A_118] {strides = array<i32>} : memref<128x128xf32, #tpu.memory_space<vmem>>, vector<1x16xf32>,
          %swap3A_120 = vector.shape_cast %swap3A_119 : vector<1x16xf32> to vector<16xf32>
          %swap3A_121 = vector.shape_cast %mul3A_116 : vector<16xf32> to vector<1x16xf32>
          tpu.vector_store %arg13[%swap3A_117, %swap3A_118], %swap3A_121 {strides = array<i32>} : memref<128x128xf32, #tpu.memory_space<vmem>>, vector<1x16xf32>,
          %get3A_122 = arith.index_cast %scan3A_95 : i32 to index
          %get3A_123 = arith.constant 32 : index
          %get3A_124 = tpu.vector_load %arg13[%get3A_122, %get3A_123] {strides = array<i32>} : memref<128x128xf32, #tpu.memory_space<vmem>>, vector<1x16xf32>,
          %get3A_125 = vector.shape_cast %get3A_124 : vector<1x16xf32> to vector<16xf32>
          %slice3A_126 = vector.extract_strided_slice %get3A_98 {offsets = [2], sizes = [1], strides = [1]} : vector<16xf32> to vector<1xf32>
          %squeeze3A_127 = vector.extract %slice3A_126[0] : f32 from vector<1xf32>
          %mul3A_128 = vector.broadcast %squeeze3A_127 : f32 to vector<16xf32>
          %mul3A_129 = arith.mulf %get3A_125, %mul3A_128 : vector<16xf32>
          %swap3A_130 = arith.index_cast %scan3A_95 : i32 to index
          %swap3A_131 = arith.constant 32 : index
          %swap3A_132 = tpu.vector_load %arg13[%swap3A_130, %swap3A_131] {strides = array<i32>} : memref<128x128xf32, #tpu.memory_space<vmem>>, vector<1x16xf32>,
          %swap3A_133 = vector.shape_cast %swap3A_132 : vector<1x16xf32> to vector<16xf32>
          %swap3A_134 = vector.shape_cast %mul3A_129 : vector<16xf32> to vector<1x16xf32>
          tpu.vector_store %arg13[%swap3A_130, %swap3A_131], %swap3A_134 {strides = array<i32>} : memref<128x128xf32, #tpu.memory_space<vmem>>, vector<1x16xf32>,
          %get3A_135 = arith.index_cast %scan3A_95 : i32 to index
          %get3A_136 = arith.constant 48 : index
          %get3A_137 = tpu.vector_load %arg13[%get3A_135, %get3A_136] {strides = array<i32>} : memref<128x128xf32, #tpu.memory_space<vmem>>, vector<1x16xf32>,
          %get3A_138 = vector.shape_cast %get3A_137 : vector<1x16xf32> to vector<16xf32>
          %slice3A_139 = vector.extract_strided_slice %get3A_98 {offsets = [3], sizes = [1], strides = [1]} : vector<16xf32> to vector<1xf32>
          %squeeze3A_140 = vector.extract %slice3A_139[0] : f32 from vector<1xf32>
          %mul3A_141 = vector.broadcast %squeeze3A_140 : f32 to vector<16xf32>
          %mul3A_142 = arith.mulf %get3A_138, %mul3A_141 : vector<16xf32>
          %swap3A_143 = arith.index_cast %scan3A_95 : i32 to index
          %swap3A_144 = arith.constant 48 : index
          %swap3A_145 = tpu.vector_load %arg13[%swap3A_143, %swap3A_144] {strides = array<i32>} : memref<128x128xf32, #tpu.memory_space<vmem>>, vector<1x16xf32>,
          %swap3A_146 = vector.shape_cast %swap3A_145 : vector<1x16xf32> to vector<16xf32>
          %swap3A_147 = vector.shape_cast %mul3A_142 : vector<16xf32> to vector<1x16xf32>
          tpu.vector_store %arg13[%swap3A_143, %swap3A_144], %swap3A_147 {strides = array<i32>} : memref<128x128xf32, #tpu.memory_space<vmem>>, vector<1x16xf32>,
          %get3A_148 = arith.index_cast %scan3A_95 : i32 to index
          %get3A_149 = arith.constant 64 : index
          %get3A_150 = tpu.vector_load %arg13[%get3A_148, %get3A_149] {strides = array<i32>} : memref<128x128xf32, #tpu.memory_space<vmem>>, vector<1x16xf32>,
          %get3A_151 = vector.shape_cast %get3A_150 : vector<1x16xf32> to vector<16xf32>
          %slice3A_152 = vector.extract_strided_slice %get3A_98 {offsets = [4], sizes = [1], strides = [1]} : vector<16xf32> to vector<1xf32>
          %squeeze3A_153 = vector.extract %slice3A_152[0] : f32 from vector<1xf32>
          %mul3A_154 = vector.broadcast %squeeze3A_153 : f32 to vector<16xf32>
          %mul3A_155 = arith.mulf %get3A_151, %mul3A_154 : vector<16xf32>
          %swap3A_156 = arith.index_cast %scan3A_95 : i32 to index
          %swap3A_157 = arith.constant 64 : index
          %swap3A_158 = tpu.vector_load %arg13[%swap3A_156, %swap3A_157] {strides = array<i32>} : memref<128x128xf32, #tpu.memory_space<vmem>>, vector<1x16xf32>,
          %swap3A_159 = vector.shape_cast %swap3A_158 : vector<1x16xf32> to vector<16xf32>
          %swap3A_160 = vector.shape_cast %mul3A_155 : vector<16xf32> to vector<1x16xf32>
          tpu.vector_store %arg13[%swap3A_156, %swap3A_157], %swap3A_160 {strides = array<i32>} : memref<128x128xf32, #tpu.memory_space<vmem>>, vector<1x16xf32>,
          %get3A_161 = arith.index_cast %scan3A_95 : i32 to index
          %get3A_162 = arith.constant 80 : index
          %get3A_163 = tpu.vector_load %arg13[%get3A_161, %get3A_162] {strides = array<i32>} : memref<128x128xf32, #tpu.memory_space<vmem>>, vector<1x16xf32>,
          %get3A_164 = vector.shape_cast %get3A_163 : vector<1x16xf32> to vector<16xf32>
          %slice3A_165 = vector.extract_strided_slice %get3A_98 {offsets = [5], sizes = [1], strides = [1]} : vector<16xf32> to vector<1xf32>
          %squeeze3A_166 = vector.extract %slice3A_165[0] : f32 from vector<1xf32>
          %mul3A_167 = vector.broadcast %squeeze3A_166 : f32 to vector<16xf32>
          %mul3A_168 = arith.mulf %get3A_164, %mul3A_167 : vector<16xf32>
          %swap3A_169 = arith.index_cast %scan3A_95 : i32 to index
          %swap3A_170 = arith.constant 80 : index
          %swap3A_171 = tpu.vector_load %arg13[%swap3A_169, %swap3A_170] {strides = array<i32>} : memref<128x128xf32, #tpu.memory_space<vmem>>, vector<1x16xf32>,
          %swap3A_172 = vector.shape_cast %swap3A_171 : vector<1x16xf32> to vector<16xf32>
          %swap3A_173 = vector.shape_cast %mul3A_168 : vector<16xf32> to vector<1x16xf32>
          tpu.vector_store %arg13[%swap3A_169, %swap3A_170], %swap3A_173 {strides = array<i32>} : memref<128x128xf32, #tpu.memory_space<vmem>>, vector<1x16xf32>,
          %get3A_174 = arith.index_cast %scan3A_95 : i32 to index
          %get3A_175 = arith.constant 96 : index
          %get3A_176 = tpu.vector_load %arg13[%get3A_174, %get3A_175] {strides = array<i32>} : memref<128x128xf32, #tpu.memory_space<vmem>>, vector<1x16xf32>,
          %get3A_177 = vector.shape_cast %get3A_176 : vector<1x16xf32> to vector<16xf32>
          %slice3A_178 = vector.extract_strided_slice %get3A_98 {offsets = [6], sizes = [1], strides = [1]} : vector<16xf32> to vector<1xf32>
          %squeeze3A_179 = vector.extract %slice3A_178[0] : f32 from vector<1xf32>
          %mul3A_180 = vector.broadcast %squeeze3A_179 : f32 to vector<16xf32>
          %mul3A_181 = arith.mulf %get3A_177, %mul3A_180 : vector<16xf32>
          %swap3A_182 = arith.index_cast %scan3A_95 : i32 to index
          %swap3A_183 = arith.constant 96 : index
          %swap3A_184 = tpu.vector_load %arg13[%swap3A_182, %swap3A_183] {strides = array<i32>} : memref<128x128xf32, #tpu.memory_space<vmem>>, vector<1x16xf32>,
          %swap3A_185 = vector.shape_cast %swap3A_184 : vector<1x16xf32> to vector<16xf32>
          %swap3A_186 = vector.shape_cast %mul3A_181 : vector<16xf32> to vector<1x16xf32>
          tpu.vector_store %arg13[%swap3A_182, %swap3A_183], %swap3A_186 {strides = array<i32>} : memref<128x128xf32, #tpu.memory_space<vmem>>, vector<1x16xf32>,
          %get3A_187 = arith.index_cast %scan3A_95 : i32 to index
          %get3A_188 = arith.constant 112 : index
          %get3A_189 = tpu.vector_load %arg13[%get3A_187, %get3A_188] {strides = array<i32>} : memref<128x128xf32, #tpu.memory_space<vmem>>, vector<1x16xf32>,
          %get3A_190 = vector.shape_cast %get3A_189 : vector<1x16xf32> to vector<16xf32>
          %slice3A_191 = vector.extract_strided_slice %get3A_98 {offsets = [7], sizes = [1], strides = [1]} : vector<16xf32> to vector<1xf32>
          %squeeze3A_192 = vector.extract %slice3A_191[0] : f32 from vector<1xf32>
          %mul3A_193 = vector.broadcast %squeeze3A_192 : f32 to vector<16xf32>
          %mul3A_194 = arith.mulf %get3A_190, %mul3A_193 : vector<16xf32>
          %swap3A_195 = arith.index_cast %scan3A_95 : i32 to index
          %swap3A_196 = arith.constant 112 : index
          %swap3A_197 = tpu.vector_load %arg13[%swap3A_195, %swap3A_196] {strides = array<i32>} : memref<128x128xf32, #tpu.memory_space<vmem>>, vector<1x16xf32>,
          %swap3A_198 = vector.shape_cast %swap3A_197 : vector<1x16xf32> to vector<16xf32>
          %swap3A_199 = vector.shape_cast %mul3A_194 : vector<16xf32> to vector<1x16xf32>
          tpu.vector_store %arg13[%swap3A_195, %swap3A_196], %swap3A_199 {strides = array<i32>} : memref<128x128xf32, #tpu.memory_space<vmem>>, vector<1x16xf32>,
        }
        %scan3A_94 = arith.constant 128 : i32
        "tpu.region"() ({
          %run_scoped3A = tpu.sem_alloc : memref<!tpu.dma_semaphore, #tpu.memory_space<semaphore_mem>>
          %dma_start3A_95 = arith.constant 0 : i32
          %dma_start3A_96 = tpu.memref_slice %arg12[%scan3A_48, %dma_start3A_95] : memref<16x128xi32, #tpu.memory_space<vmem>> -> memref<1x128xi32, #tpu.memory_space<vmem>>
          %dma_start3A_97 = tpu.memref_squeeze %dma_start3A_96 : memref<1x128xi32, #tpu.memory_space<vmem>> -> memref<128xi32, #tpu.memory_space<vmem>>
          %dma_start3A_98 = arith.constant 0 : i32
          %dma_start3A_99 = arith.constant 0 : i32
          %dma_start3A_100 = tpu.memref_slice %arg9[%dma_start3A_98, %dma_start3A_99] : memref<10240x128xf32, #tpu.memory_space<vmem_shared>> -> memref<10240x128xf32, #tpu.memory_space<vmem_shared>>
          tpu.enqueue_indirect_dma source(%arg13 : memref<128x128xf32, #tpu.memory_space<vmem>>) target(%dma_start3A_100 : memref<10240x128xf32, #tpu.memory_space<vmem_shared>>) offsets(%dma_start3A_97 : memref<128xi32, #tpu.memory_space<vmem>>) semaphore(%run_scoped3A : memref<!tpu.dma_semaphore, #tpu.memory_space<semaphore_mem>>) {add = true}
          %dma_wait3A_101 = arith.constant 0 : i32
          %dma_wait3A_102 = tpu.memref_slice %arg12[%scan3A_48, %dma_wait3A_101] : memref<16x128xi32, #tpu.memory_space<vmem>> -> memref<1x128xi32, #tpu.memory_space<vmem>>
          %dma_wait3A_103 = tpu.memref_squeeze %dma_wait3A_102 : memref<1x128xi32, #tpu.memory_space<vmem>> -> memref<128xi32, #tpu.memory_space<vmem>>
          %dma_wait3A_104 = arith.constant 0 : i32
          %dma_wait3A_105 = arith.constant 0 : i32
          %dma_wait3A_106 = tpu.memref_slice %arg9[%dma_wait3A_104, %dma_wait3A_105] : memref<10240x128xf32, #tpu.memory_space<vmem_shared>> -> memref<10240x128xf32, #tpu.memory_space<vmem_shared>>
          tpu.wait_indirect_dma semaphore(%run_scoped3A : memref<!tpu.dma_semaphore, #tpu.memory_space<semaphore_mem>>) src(%arg13 : memref<128x128xf32, #tpu.memory_space<vmem>>) dst(%dma_wait3A_106 : memref<10240x128xf32, #tpu.memory_space<vmem_shared>>)
          tpu.yield
        }) : () -> ()
        "tpu.region"() ({
          %run_scoped3A = tpu.sem_alloc : memref<!tpu.dma_semaphore, #tpu.memory_space<semaphore_mem>>
          %dma_start3A_95 = arith.constant 0 : i32
          %dma_start3A_96 = tpu.memref_slice %arg12[%scan3A_48, %dma_start3A_95] : memref<16x128xi32, #tpu.memory_space<vmem>> -> memref<1x128xi32, #tpu.memory_space<vmem>>
          %dma_start3A_97 = tpu.memref_squeeze %dma_start3A_96 : memref<1x128xi32, #tpu.memory_space<vmem>> -> memref<128xi32, #tpu.memory_space<vmem>>
          %dma_start3A_98 = arith.constant 0 : i32
          %dma_start3A_99 = arith.constant 0 : i32
          %dma_start3A_100 = tpu.memref_slice %arg10[%dma_start3A_98, %dma_start3A_99] : memref<10240x16xf32, #tpu.memory_space<vmem_shared>> -> memref<10240x16xf32, #tpu.memory_space<vmem_shared>>
          tpu.enqueue_indirect_dma source(%arg16 : memref<128x16xf32, #tpu.memory_space<vmem>>) target(%dma_start3A_100 : memref<10240x16xf32, #tpu.memory_space<vmem_shared>>) offsets(%dma_start3A_97 : memref<128xi32, #tpu.memory_space<vmem>>) semaphore(%run_scoped3A : memref<!tpu.dma_semaphore, #tpu.memory_space<semaphore_mem>>) {add = true}
          %dma_wait3A_101 = arith.constant 0 : i32
          %dma_wait3A_102 = tpu.memref_slice %arg12[%scan3A_48, %dma_wait3A_101] : memref<16x128xi32, #tpu.memory_space<vmem>> -> memref<1x128xi32, #tpu.memory_space<vmem>>
          %dma_wait3A_103 = tpu.memref_squeeze %dma_wait3A_102 : memref<1x128xi32, #tpu.memory_space<vmem>> -> memref<128xi32, #tpu.memory_space<vmem>>
          %dma_wait3A_104 = arith.constant 0 : i32
          %dma_wait3A_105 = arith.constant 0 : i32
          %dma_wait3A_106 = tpu.memref_slice %arg10[%dma_wait3A_104, %dma_wait3A_105] : memref<10240x16xf32, #tpu.memory_space<vmem_shared>> -> memref<10240x16xf32, #tpu.memory_space<vmem_shared>>
          tpu.wait_indirect_dma semaphore(%run_scoped3A : memref<!tpu.dma_semaphore, #tpu.memory_space<semaphore_mem>>) src(%arg16 : memref<128x16xf32, #tpu.memory_space<vmem>>) dst(%dma_wait3A_106 : memref<10240x16xf32, #tpu.memory_space<vmem_shared>>)
          tpu.yield
        }) : () -> ()
      }
      %scan3A_47 = arith.constant 16 : i32
    }
    %scan3A_34 = arith.constant 5 : i32
    %barrier3A_35 = arith.constant 0 : index
    tpu.barrier barrier_id(%barrier3A_35)
    "tpu.region"() ({
      %run_scoped3A = tpu.sem_alloc : memref<!tpu.dma_semaphore, #tpu.memory_space<semaphore_mem>>
      %dma_start3A = arith.constant 0 : i32
      %dma_start3A_36 = tpu.memref_slice %arg7[%arg0, %mul3A_8, %dma_start3A] : memref<2x10240x128xf32, #tpu.memory_space<hbm>> -> memref<1x640x128xf32, #tpu.memory_space<hbm>>
      %dma_start3A_37 = tpu.memref_squeeze %dma_start3A_36 : memref<1x640x128xf32, #tpu.memory_space<hbm>> -> memref<640x128xf32, #tpu.memory_space<hbm>>
      %dma_start3A_38 = arith.constant 0 : i32
      %dma_start3A_39 = tpu.memref_slice %arg9[%mul3A_8, %dma_start3A_38] : memref<10240x128xf32, #tpu.memory_space<vmem_shared>> -> memref<640x128xf32, #tpu.memory_space<vmem_shared>>
      tpu.enqueue_dma source(%dma_start3A_39 : memref<640x128xf32, #tpu.memory_space<vmem_shared>>) target(%dma_start3A_37 : memref<640x128xf32, #tpu.memory_space<hbm>>) target_semaphore(%run_scoped3A : memref<!tpu.dma_semaphore, #tpu.memory_space<semaphore_mem>>)
      %dma_wait3A = arith.constant 0 : i32
      %dma_wait3A_40 = tpu.memref_slice %arg7[%arg0, %mul3A_8, %dma_wait3A] : memref<2x10240x128xf32, #tpu.memory_space<hbm>> -> memref<1x640x128xf32, #tpu.memory_space<hbm>>
      %dma_wait3A_41 = tpu.memref_squeeze %dma_wait3A_40 : memref<1x640x128xf32, #tpu.memory_space<hbm>> -> memref<640x128xf32, #tpu.memory_space<hbm>>
      %dma_wait3A_42 = arith.constant 0 : i32
      %dma_wait3A_43 = tpu.memref_slice %arg9[%mul3A_8, %dma_wait3A_42] : memref<10240x128xf32, #tpu.memory_space<vmem_shared>> -> memref<640x128xf32, #tpu.memory_space<vmem_shared>>
      tpu.wait_dma2 semaphore(%run_scoped3A : memref<!tpu.dma_semaphore, #tpu.memory_space<semaphore_mem>>) src(%dma_wait3A_43 : memref<640x128xf32, #tpu.memory_space<vmem_shared>>) dst(%dma_wait3A_41 : memref<640x128xf32, #tpu.memory_space<hbm>>)
      tpu.yield
    }) : () -> ()
    "tpu.region"() ({
      %run_scoped3A = tpu.sem_alloc : memref<!tpu.dma_semaphore, #tpu.memory_space<semaphore_mem>>
      %dma_start3A = arith.constant 0 : i32
      %dma_start3A_36 = tpu.memref_slice %arg8[%arg0, %mul3A_8, %dma_start3A] : memref<2x10240x16xf32, #tpu.memory_space<hbm>> -> memref<1x640x16xf32, #tpu.memory_space<hbm>>
      %dma_start3A_37 = tpu.memref_squeeze %dma_start3A_36 : memref<1x640x16xf32, #tpu.memory_space<hbm>> -> memref<640x16xf32, #tpu.memory_space<hbm>>
      %dma_start3A_38 = arith.constant 0 : i32
      %dma_start3A_39 = tpu.memref_slice %arg10[%mul3A_8, %dma_start3A_38] : memref<10240x16xf32, #tpu.memory_space<vmem_shared>> -> memref<640x16xf32, #tpu.memory_space<vmem_shared>>
      tpu.enqueue_dma source(%dma_start3A_39 : memref<640x16xf32, #tpu.memory_space<vmem_shared>>) target(%dma_start3A_37 : memref<640x16xf32, #tpu.memory_space<hbm>>) target_semaphore(%run_scoped3A : memref<!tpu.dma_semaphore, #tpu.memory_space<semaphore_mem>>)
      %dma_wait3A = arith.constant 0 : i32
      %dma_wait3A_40 = tpu.memref_slice %arg8[%arg0, %mul3A_8, %dma_wait3A] : memref<2x10240x16xf32, #tpu.memory_space<hbm>> -> memref<1x640x16xf32, #tpu.memory_space<hbm>>
      %dma_wait3A_41 = tpu.memref_squeeze %dma_wait3A_40 : memref<1x640x16xf32, #tpu.memory_space<hbm>> -> memref<640x16xf32, #tpu.memory_space<hbm>>
      %dma_wait3A_42 = arith.constant 0 : i32
      %dma_wait3A_43 = tpu.memref_slice %arg10[%mul3A_8, %dma_wait3A_42] : memref<10240x16xf32, #tpu.memory_space<vmem_shared>> -> memref<640x16xf32, #tpu.memory_space<vmem_shared>>
      tpu.wait_dma2 semaphore(%run_scoped3A : memref<!tpu.dma_semaphore, #tpu.memory_space<semaphore_mem>>) src(%dma_wait3A_43 : memref<640x16xf32, #tpu.memory_space<vmem_shared>>) dst(%dma_wait3A_41 : memref<640x16xf32, #tpu.memory_space<hbm>>)
      tpu.yield
    }) : () -> ()
    return
  }
}

module attributes {stable_mosaic.version = 14 : i64} {
  func.func @_pre_body(%arg0: i32, %arg1: memref<1024x128xf32, #tpu.memory_space<vmem>>, %arg2: memref<128x128xf32, #tpu.memory_space<vmem>>, %arg3: memref<128x128xf32, #tpu.memory_space<vmem>>, %arg4: memref<128x32xf32, #tpu.memory_space<vmem>>, %arg5: memref<128x32xf32, #tpu.memory_space<vmem>>, %arg6: memref<1024x128xf32, #tpu.memory_space<vmem>>, %arg7: memref<1024x128xf32, #tpu.memory_space<vmem>>, %arg8: memref<1024x16xf32, #tpu.memory_space<vmem>>, %arg9: memref<1024x16xf32, #tpu.memory_space<vmem>>, %arg10: memref<1024x16xf32, #tpu.memory_space<vmem>>, %arg11: memref<1024x16xf32, #tpu.memory_space<vmem>>) attributes {dimension_semantics = [#tpu.dimension_semantics<arbitrary>], iteration_bounds = array<i64: 10>, scalar_prefetch = 0 : i64, scratch_operands = 0 : i64, tpu.core_type = #tpu.core_type<tc>, window_params = [{transform_indices = @transform_0, window_bounds = array<i64: 1024, 128>}, {pipeline_mode = #tpu.pipeline_mode<synchronous>, transform_indices = @transform_1, window_bounds = array<i64: 128, 128>}, {pipeline_mode = #tpu.pipeline_mode<synchronous>, transform_indices = @transform_2, window_bounds = array<i64: 128, 128>}, {pipeline_mode = #tpu.pipeline_mode<synchronous>, transform_indices = @transform_3, window_bounds = array<i64: 128, 32>}, {pipeline_mode = #tpu.pipeline_mode<synchronous>, transform_indices = @transform_4, window_bounds = array<i64: 128, 32>}, {transform_indices = @transform_5, window_bounds = array<i64: 1024, 128>}, {transform_indices = @transform_6, window_bounds = array<i64: 1024, 128>}, {transform_indices = @transform_7, window_bounds = array<i64: 1024, 16>}, {transform_indices = @transform_8, window_bounds = array<i64: 1024, 16>}, {transform_indices = @transform_9, window_bounds = array<i64: 1024, 16>}, {transform_indices = @transform_10, window_bounds = array<i64: 1024, 16>}]} {
    %get3A = arith.constant 0 : index
    %get3A_0 = arith.constant 0 : index
    %get3A_1 = vector.load %arg1[%get3A, %get3A_0] : memref<1024x128xf32, #tpu.memory_space<vmem>>, vector<1024x128xf32>
    %get3A_2 = arith.constant 0 : index
    %get3A_3 = arith.constant 0 : index
    %get3A_4 = vector.load %arg2[%get3A_2, %get3A_3] : memref<128x128xf32, #tpu.memory_space<vmem>>, vector<128x128xf32>
    %dot_general3A = arith.constant dense<0.000000e+00> : vector<1024x128xf32>
    %dot_general3A_5 = tpu.matmul %get3A_1, %get3A_4, %dot_general3A {dimension_numbers = #tpu.dot_dimension_numbers<[1], [0], [0], [1], [0, 0, 1, 1], [], []>, transpose_lhs_hint = false} : vector<1024x128xf32>, vector<128x128xf32>, vector<1024x128xf32> -> vector<1024x128xf32>
    %get3A_6 = arith.constant 0 : index
    %get3A_7 = arith.constant 0 : index
    %get3A_8 = vector.load %arg3[%get3A_6, %get3A_7] : memref<128x128xf32, #tpu.memory_space<vmem>>, vector<128x128xf32>
    %dot_general3A_9 = arith.constant dense<0.000000e+00> : vector<1024x128xf32>
    %dot_general3A_10 = tpu.matmul %get3A_1, %get3A_8, %dot_general3A_9 {dimension_numbers = #tpu.dot_dimension_numbers<[1], [0], [0], [1], [0, 0, 1, 1], [], []>, transpose_lhs_hint = false} : vector<1024x128xf32>, vector<128x128xf32>, vector<1024x128xf32> -> vector<1024x128xf32>
    %swap3A = arith.constant 0 : index
    %swap3A_11 = arith.constant 0 : index
    %swap3A_12 = vector.load %arg6[%swap3A, %swap3A_11] : memref<1024x128xf32, #tpu.memory_space<vmem>>, vector<1024x128xf32>
    tpu.vector_store %arg6[%swap3A, %swap3A_11], %dot_general3A_5 {strides = array<i32>} : memref<1024x128xf32, #tpu.memory_space<vmem>>, vector<1024x128xf32>,
    %swap3A_13 = arith.constant 0 : index
    %swap3A_14 = arith.constant 0 : index
    %swap3A_15 = vector.load %arg7[%swap3A_13, %swap3A_14] : memref<1024x128xf32, #tpu.memory_space<vmem>>, vector<1024x128xf32>
    tpu.vector_store %arg7[%swap3A_13, %swap3A_14], %dot_general3A_10 {strides = array<i32>} : memref<1024x128xf32, #tpu.memory_space<vmem>>, vector<1024x128xf32>,
    %get3A_16 = arith.constant 0 : index
    %get3A_17 = arith.constant 0 : index
    %get3A_18 = vector.load %arg4[%get3A_16, %get3A_17] : memref<128x32xf32, #tpu.memory_space<vmem>>, vector<128x32xf32>
    %dot_general3A_19 = arith.constant dense<0.000000e+00> : vector<1024x32xf32>
    %dot_general3A_20 = tpu.matmul %dot_general3A_5, %get3A_18, %dot_general3A_19 {dimension_numbers = #tpu.dot_dimension_numbers<[1], [0], [0], [1], [0, 0, 1, 1], [], []>, transpose_lhs_hint = false} : vector<1024x128xf32>, vector<128x32xf32>, vector<1024x32xf32> -> vector<1024x32xf32>
    %get3A_21 = arith.constant 0 : index
    %get3A_22 = arith.constant 0 : index
    %get3A_23 = vector.load %arg5[%get3A_21, %get3A_22] : memref<128x32xf32, #tpu.memory_space<vmem>>, vector<128x32xf32>
    %dot_general3A_24 = arith.constant dense<0.000000e+00> : vector<1024x32xf32>
    %dot_general3A_25 = tpu.matmul %dot_general3A_10, %get3A_23, %dot_general3A_24 {dimension_numbers = #tpu.dot_dimension_numbers<[1], [0], [0], [1], [0, 0, 1, 1], [], []>, transpose_lhs_hint = false} : vector<1024x128xf32>, vector<128x32xf32>, vector<1024x32xf32> -> vector<1024x32xf32>
    %slice3A = vector.extract_strided_slice %dot_general3A_20 {offsets = [0, 0], sizes = [1024, 16], strides = [1, 1]} : vector<1024x32xf32> to vector<1024x16xf32>
    %swap3A_26 = arith.constant 0 : index
    %swap3A_27 = arith.constant 0 : index
    %swap3A_28 = vector.load %arg8[%swap3A_26, %swap3A_27] : memref<1024x16xf32, #tpu.memory_space<vmem>>, vector<1024x16xf32>
    tpu.vector_store %arg8[%swap3A_26, %swap3A_27], %slice3A {strides = array<i32>} : memref<1024x16xf32, #tpu.memory_space<vmem>>, vector<1024x16xf32>,
    %slice3A_29 = vector.extract_strided_slice %dot_general3A_20 {offsets = [0, 16], sizes = [1024, 16], strides = [1, 1]} : vector<1024x32xf32> to vector<1024x16xf32>
    %swap3A_30 = arith.constant 0 : index
    %swap3A_31 = arith.constant 0 : index
    %swap3A_32 = vector.load %arg9[%swap3A_30, %swap3A_31] : memref<1024x16xf32, #tpu.memory_space<vmem>>, vector<1024x16xf32>
    tpu.vector_store %arg9[%swap3A_30, %swap3A_31], %slice3A_29 {strides = array<i32>} : memref<1024x16xf32, #tpu.memory_space<vmem>>, vector<1024x16xf32>,
    %slice3A_33 = vector.extract_strided_slice %dot_general3A_25 {offsets = [0, 0], sizes = [1024, 16], strides = [1, 1]} : vector<1024x32xf32> to vector<1024x16xf32>
    %swap3A_34 = arith.constant 0 : index
    %swap3A_35 = arith.constant 0 : index
    %swap3A_36 = vector.load %arg10[%swap3A_34, %swap3A_35] : memref<1024x16xf32, #tpu.memory_space<vmem>>, vector<1024x16xf32>
    tpu.vector_store %arg10[%swap3A_34, %swap3A_35], %slice3A_33 {strides = array<i32>} : memref<1024x16xf32, #tpu.memory_space<vmem>>, vector<1024x16xf32>,
    %slice3A_37 = vector.extract_strided_slice %dot_general3A_25 {offsets = [0, 16], sizes = [1024, 16], strides = [1, 1]} : vector<1024x32xf32> to vector<1024x16xf32>
    %swap3A_38 = arith.constant 0 : index
    %swap3A_39 = arith.constant 0 : index
    %swap3A_40 = vector.load %arg11[%swap3A_38, %swap3A_39] : memref<1024x16xf32, #tpu.memory_space<vmem>>, vector<1024x16xf32>
    tpu.vector_store %arg11[%swap3A_38, %swap3A_39], %slice3A_37 {strides = array<i32>} : memref<1024x16xf32, #tpu.memory_space<vmem>>, vector<1024x16xf32>,
    return
  }
  func.func @transform_0(%arg0: i32) -> (i32, i32) {
    %c0_i32 = arith.constant 0 : i32
    %c0_i32_0 = arith.constant 0 : i32
    return %arg0, %c0_i32 : i32, i32
  }
  func.func @transform_1(%arg0: i32) -> (i32, i32) {
    %c0_i32 = arith.constant 0 : i32
    %c0_i32_0 = arith.constant 0 : i32
    %c0_i32_1 = arith.constant 0 : i32
    return %c0_i32, %c0_i32_0 : i32, i32
  }
  func.func @transform_2(%arg0: i32) -> (i32, i32) {
    %c0_i32 = arith.constant 0 : i32
    %c0_i32_0 = arith.constant 0 : i32
    %c0_i32_1 = arith.constant 0 : i32
    return %c0_i32, %c0_i32_0 : i32, i32
  }
  func.func @transform_3(%arg0: i32) -> (i32, i32) {
    %c0_i32 = arith.constant 0 : i32
    %c0_i32_0 = arith.constant 0 : i32
    %c0_i32_1 = arith.constant 0 : i32
    return %c0_i32, %c0_i32_0 : i32, i32
  }
  func.func @transform_4(%arg0: i32) -> (i32, i32) {
    %c0_i32 = arith.constant 0 : i32
    %c0_i32_0 = arith.constant 0 : i32
    %c0_i32_1 = arith.constant 0 : i32
    return %c0_i32, %c0_i32_0 : i32, i32
  }
  func.func @transform_5(%arg0: i32) -> (i32, i32) {
    %c0_i32 = arith.constant 0 : i32
    %c0_i32_0 = arith.constant 0 : i32
    return %arg0, %c0_i32 : i32, i32
  }
  func.func @transform_6(%arg0: i32) -> (i32, i32) {
    %c0_i32 = arith.constant 0 : i32
    %c0_i32_0 = arith.constant 0 : i32
    return %arg0, %c0_i32 : i32, i32
  }
  func.func @transform_7(%arg0: i32) -> (i32, i32) {
    %c0_i32 = arith.constant 0 : i32
    %c0_i32_0 = arith.constant 0 : i32
    return %arg0, %c0_i32 : i32, i32
  }
  func.func @transform_8(%arg0: i32) -> (i32, i32) {
    %c0_i32 = arith.constant 0 : i32
    %c0_i32_0 = arith.constant 0 : i32
    return %arg0, %c0_i32 : i32, i32
  }
  func.func @transform_9(%arg0: i32) -> (i32, i32) {
    %c0_i32 = arith.constant 0 : i32
    %c0_i32_0 = arith.constant 0 : i32
    return %arg0, %c0_i32 : i32, i32
  }
  func.func @transform_10(%arg0: i32) -> (i32, i32) {
    %c0_i32 = arith.constant 0 : i32
    %c0_i32_0 = arith.constant 0 : i32
    return %arg0, %c0_i32 : i32, i32
  }
}

module attributes {stable_mosaic.version = 14 : i64} {
  func.func @_post_body(%arg0: i32, %arg1: memref<2x1024x128xf32, #tpu.memory_space<vmem>>, %arg2: memref<2x1024x16xf32, #tpu.memory_space<vmem>>, %arg3: memref<2x1024x128xf32, #tpu.memory_space<vmem>>, %arg4: memref<2x1024x16xf32, #tpu.memory_space<vmem>>, %arg5: memref<16x128xf32, #tpu.memory_space<vmem>>, %arg6: memref<1024x128xf32, #tpu.memory_space<vmem>>) attributes {dimension_semantics = [#tpu.dimension_semantics<arbitrary>], iteration_bounds = array<i64: 10>, scalar_prefetch = 0 : i64, scratch_operands = 0 : i64, tpu.core_type = #tpu.core_type<tc>, window_params = [{transform_indices = @transform_0, window_bounds = array<i64: 2, 1024, 128>}, {transform_indices = @transform_1, window_bounds = array<i64: 2, 1024, 16>}, {transform_indices = @transform_2, window_bounds = array<i64: 2, 1024, 128>}, {transform_indices = @transform_3, window_bounds = array<i64: 2, 1024, 16>}, {pipeline_mode = #tpu.pipeline_mode<synchronous>, transform_indices = @transform_4, window_bounds = array<i64: 16, 128>}, {transform_indices = @transform_5, window_bounds = array<i64: 1024, 128>}]} {
    %get3A = arith.constant 0 : index
    %get3A_0 = arith.constant 0 : index
    %get3A_1 = vector.load %arg5[%get3A, %get3A_0] : memref<16x128xf32, #tpu.memory_space<vmem>>, vector<16x128xf32>
    %get3A_2 = arith.constant 0 : index
    %get3A_3 = arith.constant 0 : index
    %get3A_4 = arith.constant 0 : index
    %get3A_5 = vector.load %arg1[%get3A_2, %get3A_3, %get3A_4] : memref<2x1024x128xf32, #tpu.memory_space<vmem>>, vector<1x1024x128xf32>
    %get3A_6 = vector.shape_cast %get3A_5 : vector<1x1024x128xf32> to vector<1024x128xf32>
    %get3A_7 = arith.constant 1 : index
    %get3A_8 = arith.constant 0 : index
    %get3A_9 = arith.constant 0 : index
    %get3A_10 = vector.load %arg1[%get3A_7, %get3A_8, %get3A_9] : memref<2x1024x128xf32, #tpu.memory_space<vmem>>, vector<1x1024x128xf32>
    %get3A_11 = vector.shape_cast %get3A_10 : vector<1x1024x128xf32> to vector<1024x128xf32>
    %add3A = arith.addf %get3A_6, %get3A_11 : vector<1024x128xf32>
    %get3A_12 = arith.constant 0 : index
    %get3A_13 = arith.constant 0 : index
    %get3A_14 = arith.constant 0 : index
    %get3A_15 = vector.load %arg3[%get3A_12, %get3A_13, %get3A_14] : memref<2x1024x128xf32, #tpu.memory_space<vmem>>, vector<1x1024x128xf32>
    %get3A_16 = vector.shape_cast %get3A_15 : vector<1x1024x128xf32> to vector<1024x128xf32>
    %get3A_17 = arith.constant 1 : index
    %get3A_18 = arith.constant 0 : index
    %get3A_19 = arith.constant 0 : index
    %get3A_20 = vector.load %arg3[%get3A_17, %get3A_18, %get3A_19] : memref<2x1024x128xf32, #tpu.memory_space<vmem>>, vector<1x1024x128xf32>
    %get3A_21 = vector.shape_cast %get3A_20 : vector<1x1024x128xf32> to vector<1024x128xf32>
    %add3A_22 = arith.addf %get3A_16, %get3A_21 : vector<1024x128xf32>
    %get3A_23 = arith.constant 0 : index
    %get3A_24 = arith.constant 0 : index
    %get3A_25 = arith.constant 0 : index
    %get3A_26 = vector.load %arg2[%get3A_23, %get3A_24, %get3A_25] : memref<2x1024x16xf32, #tpu.memory_space<vmem>>, vector<1x1024x16xf32>
    %get3A_27 = vector.shape_cast %get3A_26 : vector<1x1024x16xf32> to vector<1024x16xf32>
    %get3A_28 = arith.constant 1 : index
    %get3A_29 = arith.constant 0 : index
    %get3A_30 = arith.constant 0 : index
    %get3A_31 = vector.load %arg2[%get3A_28, %get3A_29, %get3A_30] : memref<2x1024x16xf32, #tpu.memory_space<vmem>>, vector<1x1024x16xf32>
    %get3A_32 = vector.shape_cast %get3A_31 : vector<1x1024x16xf32> to vector<1024x16xf32>
    %add3A_33 = arith.addf %get3A_27, %get3A_32 : vector<1024x16xf32>
    %dot_general3A = arith.constant dense<0.000000e+00> : vector<1024x128xf32>
    %dot_general3A_34 = tpu.matmul %add3A_33, %get3A_1, %dot_general3A {dimension_numbers = #tpu.dot_dimension_numbers<[1], [0], [0], [1], [0, 0, 1, 1], [], []>, transpose_lhs_hint = false} : vector<1024x16xf32>, vector<16x128xf32>, vector<1024x128xf32> -> vector<1024x128xf32>
    %add3A_35 = arith.constant 9.99999971E-10 : f32
    %add3A_36 = vector.broadcast %add3A_35 : f32 to vector<1024x128xf32>
    %add3A_37 = arith.addf %dot_general3A_34, %add3A_36 : vector<1024x128xf32>
    %get3A_38 = arith.constant 0 : index
    %get3A_39 = arith.constant 0 : index
    %get3A_40 = arith.constant 0 : index
    %get3A_41 = vector.load %arg4[%get3A_38, %get3A_39, %get3A_40] : memref<2x1024x16xf32, #tpu.memory_space<vmem>>, vector<1x1024x16xf32>
    %get3A_42 = vector.shape_cast %get3A_41 : vector<1x1024x16xf32> to vector<1024x16xf32>
    %get3A_43 = arith.constant 1 : index
    %get3A_44 = arith.constant 0 : index
    %get3A_45 = arith.constant 0 : index
    %get3A_46 = vector.load %arg4[%get3A_43, %get3A_44, %get3A_45] : memref<2x1024x16xf32, #tpu.memory_space<vmem>>, vector<1x1024x16xf32>
    %get3A_47 = vector.shape_cast %get3A_46 : vector<1x1024x16xf32> to vector<1024x16xf32>
    %add3A_48 = arith.addf %get3A_42, %get3A_47 : vector<1024x16xf32>
    %dot_general3A_49 = arith.constant dense<0.000000e+00> : vector<1024x128xf32>
    %dot_general3A_50 = tpu.matmul %add3A_48, %get3A_1, %dot_general3A_49 {dimension_numbers = #tpu.dot_dimension_numbers<[1], [0], [0], [1], [0, 0, 1, 1], [], []>, transpose_lhs_hint = false} : vector<1024x16xf32>, vector<16x128xf32>, vector<1024x128xf32> -> vector<1024x128xf32>
    %add3A_51 = arith.constant 9.99999971E-10 : f32
    %add3A_52 = vector.broadcast %add3A_51 : f32 to vector<1024x128xf32>
    %add3A_53 = arith.addf %dot_general3A_50, %add3A_52 : vector<1024x128xf32>
    %div3A = arith.divf %add3A, %add3A_37 : vector<1024x128xf32>
    %div3A_54 = arith.divf %add3A_22, %add3A_53 : vector<1024x128xf32>
    %add3A_55 = arith.addf %div3A, %div3A_54 : vector<1024x128xf32>
    %gt3A = arith.constant 0.000000e+00 : f32
    %gt3A_56 = vector.broadcast %gt3A : f32 to vector<1024x128xf32>
    %gt3A_57 = arith.cmpf ogt, %add3A_55, %gt3A_56 : vector<1024x128xf32>
    %min3A = arith.constant 0.000000e+00 : f32
    %min3A_58 = vector.broadcast %min3A : f32 to vector<1024x128xf32>
    %min3A_59 = arith.minimumf %add3A_55, %min3A_58 : vector<1024x128xf32>
    %exp3A = math.exp %min3A_59 : vector<1024x128xf32>
    %sub3A = arith.constant 1.000000e+00 : f32
    %sub3A_60 = vector.broadcast %sub3A : f32 to vector<1024x128xf32>
    %sub3A_61 = arith.subf %exp3A, %sub3A_60 : vector<1024x128xf32>
    %select_n3A = arith.select %gt3A_57, %add3A_55, %sub3A_61 : vector<1024x128xi1>, vector<1024x128xf32>
    %swap3A = arith.constant 0 : index
    %swap3A_62 = arith.constant 0 : index
    %swap3A_63 = vector.load %arg6[%swap3A, %swap3A_62] : memref<1024x128xf32, #tpu.memory_space<vmem>>, vector<1024x128xf32>
    tpu.vector_store %arg6[%swap3A, %swap3A_62], %select_n3A {strides = array<i32>} : memref<1024x128xf32, #tpu.memory_space<vmem>>, vector<1024x128xf32>,
    return
  }
  func.func @transform_0(%arg0: i32) -> (i32, i32, i32) {
    %c0_i32 = arith.constant 0 : i32
    %c0_i32_0 = arith.constant 0 : i32
    %c0_i32_1 = arith.constant 0 : i32
    return %c0_i32, %arg0, %c0_i32_0 : i32, i32, i32
  }
  func.func @transform_1(%arg0: i32) -> (i32, i32, i32) {
    %c0_i32 = arith.constant 0 : i32
    %c0_i32_0 = arith.constant 0 : i32
    %c0_i32_1 = arith.constant 0 : i32
    return %c0_i32, %arg0, %c0_i32_0 : i32, i32, i32
  }
  func.func @transform_2(%arg0: i32) -> (i32, i32, i32) {
    %c0_i32 = arith.constant 0 : i32
    %c0_i32_0 = arith.constant 0 : i32
    %c0_i32_1 = arith.constant 0 : i32
    return %c0_i32, %arg0, %c0_i32_0 : i32, i32, i32
  }
  func.func @transform_3(%arg0: i32) -> (i32, i32, i32) {
    %c0_i32 = arith.constant 0 : i32
    %c0_i32_0 = arith.constant 0 : i32
    %c0_i32_1 = arith.constant 0 : i32
    return %c0_i32, %arg0, %c0_i32_0 : i32, i32, i32
  }
  func.func @transform_4(%arg0: i32) -> (i32, i32) {
    %c0_i32 = arith.constant 0 : i32
    %c0_i32_0 = arith.constant 0 : i32
    %c0_i32_1 = arith.constant 0 : i32
    return %c0_i32, %c0_i32_0 : i32, i32
  }
  func.func @transform_5(%arg0: i32) -> (i32, i32) {
    %c0_i32 = arith.constant 0 : i32
    %c0_i32_0 = arith.constant 0 : i32
    return %arg0, %c0_i32 : i32, i32
  }
}

</mosaic_0001>

<sc_bundles>
// kernel: kernel.6.cloned.1.call-start
scs
__scs_entry_jumppad:
0x0: {  	(pc) =	sbr.rel $0x88, $3  }
0x1: {  	(tag) =	ssettag $0x0;
	lr =	simm.s32 $0x1  }
0x2: {  	[smem:$0x3F99] =	sst lr;
	_ =	strace $0xD0000000  }
0x3: {  	_ = 	snop  }
0x4: {  	_ = 	snop  }
0x5: {  	_ = 	snop  }
0x6: {  	_ = 	snop  }
0x7: {  	_ = 	snop  }
__scs_overlays_trampoline_lowered:
0x8: {  	[smem:$0x3FA8] =	sst s0  }
0x9: {  	[smem:$0x3FA9] =	sst s1  }
0xa: {  	[smem:$0x3FAA] =	sst s2  }
0xb: {  	[smem:$0x3FAB] =	sst s3  }
0xc: {  	[smem:$0x3FAC] =	sst s4  }
0xd: {  	[smem:$0x3FAD] =	sst s5  }
0xe: {  	[smem:$0x3FAE] =	sst s6  }
0xf: {  	[smem:$0x3FAF] =	sst s7  }
0x10: {  	[smem:$0x3FB0] =	sst s8  }
0x11: {  	[smem:$0x3FB1] =	sst s9;
	s0 =	simm.s32 @!p0 $0x0  }
0x12: {  	s1 =	sld [smem:$0x3F97];
	s0 =	simm.s32 @p0 $0x1  }
0x13: {  	[smem:$0x3FB2] =	sst s0;
	s0 =	simm.s32 @!p1 $0x0  }
0x14: {  	s2 =	sld [smem:$0x3F96];
	s0 =	simm.s32 @p1 $0x1  }
0x15: {  	[smem:$0x3FB3] =	sst s0;
	s0 =	simm.s32 @!p2 $0x0  }
0x16: {  	s3 =	sld [smem:$0x3FDB];
	s0 =	simm.s32 @p2 $0x1  }
0x17: {  	s4 =	simm.s32 $0x1BF5;
	[smem:$0x3FB5] =	sst s0  }
0x18: {  	s0 =	sld [smem:$0x3F98];
	_ =	swait.ge [sflag:s4], $0x0  }
0x19: {  	s7 =	sld [smem:$0x3F99]  }
0x1a: {  	s8 =	sadd.s32 $0xFFFFE003, lr  }
0x1b: {  	s9 =	sadd.s32 $0xFFFFFEF7, lr;
	s5 =	simm.s32 $0xFFFFFFFF;
	p2 =	slt.u32 s8, $0xFFFFF086  }
0x1c: {  	p1 =	slt.u32 s9, $0xF7A;
	s5 =	simm.s32 @!p2 $0x0  }
0x1d: {  	s5 =	simm.s32 @p1 $0x1;
	p0 =	seq.s32 s7, s2  }
0x1e: {  	s7 =	smul.u32 @!p0 $0xF7A, s2;
	p2 =	seq.s32 @!p0 s5, $0x0  }
0x1f: {  	s9 =	smul.u32 $0xF7A, s1;
	s8 =	simm.s32 @!p0 $0x1BF5;
	p2 =	por !p2, p0  }
0x20: {  	[sflag:s8] =	ssyncset.s32 @!p0 $0xFFFFF086;
	s6 =	sadd.s32 @!p0 s3, s7;
	s7 =	simm.s32 @!p0 $0x108  }
0x21: {  	s3 =	sadd.s32 s3, s9;
	s6 =	sadd.s32 @!p0 $0x88, s6;
	s7 =	simm.s32 @p2 $0x1082  }
0x22: {  	[simem:s7], [sflag:s8] =	dma.local @!p0 [hbm:s6], $0xF7A  }
0x23: {  	s9 =	sor.u32 $0xD0000000, s2;
	s6 =	simm.s32 $0x108;
	_ =	swait.ge @!p0 [sflag:s8], $0x0  }
0x24: {  	s3 =	sadd.s32 $0x88, s3;
	s6 =	simm.s32 @!p1 $0x1082;
	[sflag:s4] =	ssyncset.s32 $0xFFFFF086  }
0x25: {  	[simem:s6], [sflag:s4] =	dma.local [hbm:s3], $0xF7A  }
0x26: {  	[smem:$0x3F99] =	sst s1;
	(tag) =	ssettag s2;
	_ =	strace s9  }
0x27: {  	s1 =	sld [smem:$0x3FA9]  }
0x28: {  	s2 =	sld [smem:$0x3FAA]  }
0x29: {  	s4 =	sld [smem:$0x3FAC]  }
0x2a: {  	p0 =	seq.s32 s5, $0x0;
	s5 =	sld [smem:$0x3FAD]  }
0x2b: {  	s6 =	sld [smem:$0x3FAE]  }
0x2c: {  	s7 =	sld [smem:$0x3FAF]  }
0x2d: {  	s3 =	simm.s32 $0x108;
	s8 =	sld [smem:$0x3FB0]  }
0x2e: {  	s3 =	simm.s32 @!p0 $0x1082;
	s9 =	sld [smem:$0x3FB1]  }
0x2f: {  	lr =	sadd.s32 s0, s3;
	s0 =	sld [smem:$0x3FA8]  }
0x30: {  	s3 =	sld [smem:$0x3FAB]  }
0x31: {  	[smem:$0x3FB4] =	sst s10  }
0x32: {  	s10 =	sld [smem:$0x3FB2];
	_ =	sdelay $0x3  }
0x33: {  	p0 =	seq.s32 s10, $0x1;
	s10 =	sld [smem:$0x3FB4];
	_ =	sdelay $0x3  }
0x34: {  	[smem:$0x3FB4] =	sst s10  }
0x35: {  	s10 =	sld [smem:$0x3FB3];
	_ =	sdelay $0x3  }
0x36: {  	p1 =	seq.s32 s10, $0x1;
	s10 =	sld [smem:$0x3FB4];
	_ =	sdelay $0x3  }
0x37: {  	[smem:$0x3FB4] =	sst s10  }
0x38: {  	s10 =	sld [smem:$0x3FB5]  }
0x39: {  	_ = 	snop;
	(pc) =	sbr.ind lr, $3  }
0x3a: {  	_ = 	snop  }
0x3b: {  	_ = 	snop  }
0x3c: {  	p2 =	seq.s32 s10, $0x1;
	s10 =	sld [smem:$0x3FB4]  }
0x3d: {  	_ =	shalt  }
0x3e: {  	_ =	shalt  }
0x3f: {  	_ =	shalt  }
0x40: {  	_ =	shalt  }
0x41: {  	_ =	shalt  }
0x42: {  	_ =	shalt  }
0x43: {  	_ =	shalt  }
0x44: {  	_ =	shalt  }
0x45: {  	_ =	shalt  }
0x46: {  	_ =	shalt  }
0x47: {  	_ =	shalt  }
0x48: {  	_ =	shalt  }
0x49: {  	_ =	shalt  }
0x4a: {  	_ =	shalt  }
0x4b: {  	_ =	shalt  }
0x4c: {  	_ =	shalt  }
0x4d: {  	_ =	shalt  }
0x4e: {  	_ =	shalt  }
0x4f: {  	_ =	shalt  }
0x50: {  	_ =	shalt  }
0x51: {  	_ =	shalt  }
0x52: {  	_ =	shalt  }
0x53: {  	_ =	shalt  }
0x54: {  	_ =	shalt  }
0x55: {  	_ =	shalt  }
0x56: {  	_ =	shalt  }
0x57: {  	_ =	shalt  }
0x58: {  	_ =	shalt  }
0x59: {  	_ =	shalt  }
0x5a: {  	_ =	shalt  }
0x5b: {  	_ =	shalt  }
0x5c: {  	_ =	shalt  }
0x5d: {  	_ =	shalt  }
0x5e: {  	_ =	shalt  }
0x5f: {  	_ =	shalt  }
0x60: {  	_ =	shalt  }
0x61: {  	_ =	shalt  }
0x62: {  	_ =	shalt  }
0x63: {  	_ =	shalt  }
0x64: {  	_ =	shalt  }
0x65: {  	_ =	shalt  }
0x66: {  	_ =	shalt  }
0x67: {  	_ =	shalt  }
0x68: {  	_ =	shalt  }
0x69: {  	_ =	shalt  }
0x6a: {  	_ =	shalt  }
0x6b: {  	_ =	shalt  }
0x6c: {  	_ =	shalt  }
0x6d: {  	_ =	shalt  }
0x6e: {  	_ =	shalt  }
0x6f: {  	_ =	shalt  }
0x70: {  	_ =	shalt  }
0x71: {  	_ =	shalt  }
0x72: {  	_ =	shalt  }
0x73: {  	_ =	shalt  }
0x74: {  	_ =	shalt  }
0x75: {  	_ =	shalt  }
0x76: {  	_ =	shalt  }
0x77: {  	_ =	shalt  }
0x78: {  	_ =	shalt  }
0x79: {  	_ =	shalt  }
0x7a: {  	_ =	shalt  }
0x7b: {  	_ =	shalt  }
0x7c: {  	_ =	shalt  }
0x7d: {  	_ =	shalt  }
0x7e: {  	_ =	shalt  }
0x7f: {  	_ =	shalt  }
0x80: {  	_ =	shalt  }
0x81: {  	_ =	shalt  }
0x82: {  	_ =	shalt  }
0x83: {  	_ =	shalt  }
0x84: {  	_ =	shalt  }
0x85: {  	_ =	shalt  }
0x86: {  	_ =	shalt  }
0x87: {  	_ =	shalt  }
.Lfunc_end0:
.L_simem_size_0:
called_computation_lowered:
.L_overlay_start_0:
0x88: {  	s2 =	sld [smem:$0x3FD9]  }
0x89: {  	s3 =	sld [smem:$0x3FFE];
	_ =	sdelay $0x1  }
0x8a: {  	s1 =	srdreg.scid  }
0x8b: {  	s0 =	sand.u32 $0x1, s1  }
0x8c: {  	s17 =	sshll.u32 s0, $0xA;
	s2 =	sadd.s32 s3, s2  }
0x8d: {  	s2 =	sadd.s32 s2, s17  }
0x8e: {  	[smem:$0x3FC0] =	sst s2  }
0x8f: {  	_ = 	snop  }
0x90: {  	s18 =	sld [smem:$0x3FD0];
	(tm) =	ssettm $0x1  }
0x91: {  	s19 =	sld [smem:$0x3FFB];
	_ =	sdelay $0x3  }
0x92: {  	_ =	strace s19  }
0x93: {  	s2 =	sld [smem:$0x3FFC];
	_ =	sdelay $0x3  }
0x94: {  	_ =	strace s2  }
0x95: {  	s2 =	sld [smem:$0x3FFD];
	_ =	sdelay $0x3  }
0x96: {  	_ =	strace s2  }
0x97: {  	_ =	strace $0x8FFFFFFF  }
0x98: {  	s20 =	sld [smem:$0x3FDB];
	_ =	sdelay $0x1  }
0x99: {  	s4 =	simm.s32 $_scs_section_size  }
0x9a: {  	s5 =	simm.s32 $_size__tile_overlayer_lowered;
	s6 =	simm.s32 $_tile_overlayer_lowered  }
0x9b: {  	s7 =	simm.s32 $0x1BFF;
	s21 =	sshll.u32 s6, $0x1;
	s4 =	sadd.s32 s4, s20  }
0x9c: {  	s22 =	simm.s32 $0x0;
	s5 =	sshll.u32 s5, $0x1;
	s6 =	sadd.s32 s21, s4  }
0x9d: {  	[timem:s22], [sflag:s7] =	dma.local [hbm:s6], s5  }
0x9e: {  	_ =	swait.ge [sflag:s7], s5  }
0x9f: {  	s5 =	ssub.s32 $0x0, s5;
	[sflag:s7] =	ssyncset.done $0x0  }
0xa0: {  	[sflag:s7] =	ssyncadd.s32 s5;
	_ =	sdelay $0x1  }
0xa1: {  	s23 =	simm.s32 $0x1B8B  }
0xa2: {  	_ =	swait.ge [sflag:s23], $0x1  }
0xa3: {  	[sflag:s23] =	ssyncset.done $0x0  }
0xa4: {  	[sflag:s23] =	ssyncadd.s32 $0xFFFFFFFF  }
0xa5: {  	s5 =	sld [smem:$0x0]  }
0xa6: {  	s6 =	sand.u32 $0xFFFFFFFE, s1  }
0xa7: {  	p0 =	sne.s32 s1, s6  }
0xa8: {  	s6 =	sshll.u32 @p0 s6, $0xE  }
0xa9: {  	s6 =	sadd.s32 @p0 $0x11B8D, s6;
	s7 =	sshll.u32 @p0 s5, $0x11  }
0xaa: {  	s6 =	sor.u32 @p0 s7, s6  }
0xab: {  	[sflag:s6] =	ssyncadd.remote.s32 @p0 $0x1;
	_ =	sdelay $0x1  }
0xac: {  	s6 =	simm.s32 @p0 $0x1B8D  }
0xad: {  	_ =	swait.eq @p0 [sflag:s6], $0x1  }
0xae: {  	[sflag:s6] =	ssyncadd.s32 @p0 $0xFFFFFFFF  }
0xaf: {  	s7 =	sshll.u32 @!p0 s1, $0xE  }
0xb0: {  	s7 =	sor.u32 @!p0 $0x4000, s7;
	s6 =	simm.s32 @!p0 $0x1B8D  }
0xb1: {  	s5 =	sshll.u32 @!p0 s5, $0x11;
	s7 =	sadd.s32 @!p0 $0x11B8D, s7;
	_ =	swait.eq @!p0 [sflag:s6], $0x1  }
0xb2: {  	s5 =	sor.u32 @!p0 s5, s7;
	[sflag:s6] =	ssyncadd.s32 @!p0 $0xFFFFFFFF  }
0xb3: {  	s25 =	simm.s32 $0x1B8E;
	s24 =	sld [smem:$0x3FFE];
	[sflag:s5] =	ssyncadd.remote.s32 @!p0 $0x1  }
0xb4: {  	s26 =	simm.s32 $execute0_lowered;
	[smem:$0x3FD2] =	sst s25  }
0xb5: {  	s6 =	sshll.u32 s26, $0x1;
	_ =	strace $0x80000049;
	[dreg:$0x1] =	wrdreg $0xFFFFFFFF  }
0xb6: {  	s28 =	simm.s32 $_size_execute0_lowered;
	s4 =	sadd.s32 s4, s6;
	[dreg:$0x0] =	wrdreg $0x0  }
0xb7: {  	s6 =	sshll.u32 s28, $0x1;
	[dreg:$0x2] =	wrdreg s4  }
0xb8: {  	[dreg:$0x3] =	wrdreg s6  }
0xb9: {  	[dreg:$0x4] =	wrdreg $0xC0  }
0xba: {  	_ =	task [dreg:s22], $0x5FFFF  }
0xbb: {  	[dreg:$0x1] =	wrdreg $0xFFFFFFFF  }
0xbc: {  	[dreg:$0x0] =	wrdreg $0x60  }
0xbd: {  	[dreg:$0x2] =	wrdreg s24  }
0xbe: {  	[dreg:$0x3] =	wrdreg s18  }
0xbf: {  	[dreg:$0x4] =	wrdreg $0x0  }
0xc0: {  	[dreg:$0x5] =	wrdreg $0x140000  }
0xc1: {  	[dreg:$0x6] =	wrdreg $0x9  }
0xc2: {  	_ =	task.clear_ibuf [dreg:s22], $0x7FFFF;
	_ =	strace $0x90000049  }
0xc3: {  	s29 =	simm.s32 $0x9;
	_ =	strace $0x8000004B  }
0xc4: {  	_ =	swait.ge [sflag:s29], $0x1  }
0xc5: {  	[sflag:s29] =	ssyncadd.s32 $0xFFFFFFFF  }
0xc6: {  	_ =	strace $0x9000004B  }
0xc7: {  	_ =	sfence  }
0xc8: {  	s30 =	sld [smem:$0x0];
	_ =	sdelay $0x2  }
0xc9: {  	s31 =	sshll.u32 s1, $0xD;
	s1 =	sshrl.u32 s1, $0x2  }
0xca: {  	s4 =	sand.u32 $0x4000, s31;
	s1 =	sadd.s32 s1, s30  }
0xcb: {  	s0 =	sor.u32 s4, s0;
	s1 =	sshll.u32 s1, $0x11  }
0xcc: {  	s0 =	sor.u32 s1, s0  }
0xcd: {  	s0 =	sadd.s32 $0x8F2B, s0  }
0xce: {  	[sflag:s0] =	ssyncadd.remote.s32 $0x1  }
0xcf: {  	_ =	sfence.sel $0xFFFF  }
0xd0: {  	[dreg:$0x0] =	wrdreg $0xFFFFFFFF;
	(pc) =	sbr.abs _section_cstart, $3  }
0xd1: {  	[dreg:$0x1] =	wrdreg $0xFFFFFFFF  }
0xd2: {  	_ =	task.clear_ibuf [dreg:s22], $0x2FFFF;
	_ =	strace $0x9FFFFFFF  }
0xd3: {  	(tm) =	ssettm $0x7FFFFFFF  }
tec
execute0_lowered:
.L_overlay_start_1:
0x0: {  	(tag) =	ssettag $0x1  }
0x1: {  	s0 =	rddreg [dreg:$0x0]  }
0x2: {  	s1 =	rddreg [dreg:$0x1]  }
0x3: {  	s3 =	rddreg [dreg:$0x2]  }
0x4: {  	s2 =	srdreg.scid;
	s17 =	stileid.u32  }
0x5: {  	s4 =	rddreg [dreg:$0x3];
	s5 =	simm.s32 $0x0;
	s28 =	simm.s32 $0x16800  }
0x6: {  	s29 =	simm.s32 $0x17000;
	s30 =	simm.s32 $0x80;
	s10 =	smul.u32 $0x14000, s17  }
0x7: {  	s31 =	simm.s32 $0x1B800;
	s2 =	sand.u32 $0x1, s2;
	s11 =	smul.u32 $0x2800, s17  }
0x8: {  	[smem:$0x7FF] =	sst s5;
	s6 =	sadd.s32 $0x78800, s0;
	s16 =	smul.u32 $0x280, s17  }
0x9: {  	s7 =	sadd.s32 $0x41800, s0;
	s8 =	sadd.s32 $0x46800, s0;
	s9 =	smul.u32 $0x140000, s2  }
0xa: {  	s12 =	smul.u32 $0x28000, s2;
	s14 =	ssub.s32 $0x2, s2;
	s2 =	sshll.u32 s2, $0x4  }
0xb: {  	_ =	strace $0x8000004A;
	s15 =	sshrl.u32 s14, $0x1;
	s2 =	sor.u32 s17, s2  }
0xc: {  	s24 =	sadd.s32 $0x80, s16;
	s26 =	sadd.s32 $0x100, s16;
	s19 =	sadd.s32 $0x180, s16  }
0xd: {  	s16 =	sadd.s32 $0x200, s16;
	s13 =	sadd.s32 s10, s9;
	s9 =	sadd.s32 $0x2D800, s0  }
0xe: {  	s12 =	sadd.s32 s11, s12;
	s10 =	sadd.s32 s10, s3;
	s11 =	sadd.s32 s11, s4  }
0xf: {  	s25 =	sshll.u32 s24, $0x7;
	s18 =	sshll.u32 s26, $0x4;
	s22 =	sshll.u32 s16, $0x7  }
0x10: {  	s13 =	sshrl.u32 s13, $0x3;
	s12 =	sshrl.u32 s12, $0x3;
	s23 =	sadd.s32 s22, s3  }
0x11: {  	s13 =	sadd.s32 s13, s0;
	s0 =	sadd.s32 s12, s0;
	s12 =	ssub.s32 s14, s15  }
0x12: {  	s14 =	sshll.u32 s24, $0x4;
	s15 =	sadd.s32 s25, s3;
	[dreg:$0xb] =	wrdreg s23  }
0x13: {  	s20 =	sshll.u32 s19, $0x7;
	[dreg:$0x5] =	wrdreg s15;
	s14 =	sadd.s32 s14, s4  }
0x14: {  	s21 =	sshll.u32 s19, $0x4;
	s25 =	sadd.s32 $0xF5800, s13;
	[dreg:$0x6] =	wrdreg s14  }
0x15: {  	s24 =	sshll.u32 s16, $0x4;
	s0 =	sadd.s32 $0x4B800, s0;
	[dreg:$0xd] =	wrdreg s25  }
0x16: {  	s15 =	sshll.u32 s26, $0x7;
	s26 =	smax.u32 s12, $0x1;
	[dreg:$0xe] =	wrdreg s0  }
0x17: {  	s12 =	simm.s32 $0x1;
	s14 =	sadd.s32 s15, s3;
	[dreg:$0xf] =	wrdreg s26  }
0x18: {  	s25 =	simm.s32 $0x3;
	[dreg:$0x7] =	wrdreg s14;
	s14 =	sadd.s32 s18, s4  }
0x19: {  	s26 =	simm.s32 $0x1C800;
	[dreg:$0x8] =	wrdreg s14;
	s14 =	sadd.s32 s20, s3  }
0x1a: {  	s0 =	simm.s32 $0x2;
	[dreg:$0x9] =	wrdreg s14;
	s14 =	sadd.s32 s21, s4  }
0x1b: {  	s20 =	smul.u32 $0x2800, s2;
	[dreg:$0xa] =	wrdreg s14;
	s14 =	sadd.s32 s24, s4  }
0x1c: {  	v0 =	vimm.f32 $0.0e+00;
	s2 =	simm.s32 $0x1C000;
	s24 =	simm.s32 $0x17800;
	[dreg:$0xc] =	wrdreg s14  }
.LBB2_1:
0x1d: {  	s14 =	simm.s32 $0x0  }
0x1e: {  	s13 =	simm.s32 $0x17840;
	[tilespmem:s14+$0x1C800] =	vst v0;
	s14 =	simm.s32 $0x40  }
.LBB2_2:
0x1f: {  	p0 =	sne.s32 s14, $0x1FC0;
	[tilespmem:s13+$0xFFFFFFC0] =	vst v0  }
0x20: {  	[tilespmem:s13+$0xFFFFFFD0] =	vst v0  }
0x21: {  	[tilespmem:s13+$0xFFFFFFE0] =	vst v0  }
0x22: {  	[tilespmem:s13+$0xFFFFFFF0] =	vst v0  }
.Ltmp0:
0x23: {  	[tilespmem:s13+$0x0] =	vst v0;
	(pc) =	sbr.rel @p0 .LBB2_2-.Ltmp0, $4  }
0x24: {  	[tilespmem:s13+$0x10] =	vst v0  }
0x25: {  	[tilespmem:s13+$0x20] =	vst v0  }
0x26: {  	s15 =	sshra.s32 s14, $0x2;
	[tilespmem:s13+$0x30] =	vst v0  }
0x27: {  	s14 =	sadd.s32 $0x40, s14;
	s13 =	sadd.s32 $0x80, s13;
	[tilespmem:s15+$0x1C800] =	vst v0  }
0x28: {  	[tilespmem:s13+$0xFFFFFFC0] =	vst v0  }
0x29: {  	[tilespmem:s13+$0xFFFFFFD0] =	vst v0  }
0x2a: {  	[tilespmem:s13+$0xFFFFFFE0] =	vst v0  }
0x2b: {  	[tilespmem:s13+$0xFFFFFFF0] =	vst v0  }
0x2c: {  	[tilespmem:s13+$0x0] =	vst v0  }
0x2d: {  	[tilespmem:s13+$0x10] =	vst v0  }
0x2e: {  	[tilespmem:s13+$0x20] =	vst v0  }
0x2f: {  	[tilespmem:s13+$0x30] =	vst v0  }
0x30: {  	[spmem:s10] =	stream.linear.scatter [tilespmem:s24], [sflag:$0x3], $0x4000, $0x38;
	[tilespmem:$0x1D000] =	vst v63  }
0x31: {  	_ =	swait.ge [sflag:s25], $0x4000  }
0x32: {  	[sflag:s25] =	ssyncset.done $0x0  }
0x33: {  	[sflag:s25] =	ssyncadd.s32 $0xFFFFC000  }
0x34: {  	[spmem:s11] =	stream.linear.scatter [tilespmem:s26], [sflag:$0x3], $0x800, $0x38;
	[tilespmem:$0x1D000] =	vst v63  }
0x35: {  	_ =	swait.ge [sflag:s25], $0x800  }
0x36: {  	[sflag:s25] =	ssyncset.done $0x0  }
0x37: {  	s15 =	rddreg [dreg:$0x5];
	[sflag:s25] =	ssyncadd.s32 $0xFFFFF800  }
0x38: {  	[spmem:s15] =	stream.linear.scatter [tilespmem:s24], [sflag:$0x3], $0x4000, $0x38;
	[tilespmem:$0x1D000] =	vst v63  }
0x39: {  	_ =	swait.ge [sflag:s25], $0x4000  }
0x3a: {  	[sflag:s25] =	ssyncset.done $0x0  }
0x3b: {  	s16 =	rddreg [dreg:$0x6];
	[sflag:s25] =	ssyncadd.s32 $0xFFFFC000  }
0x3c: {  	[spmem:s16] =	stream.linear.scatter [tilespmem:s26], [sflag:$0x3], $0x800, $0x38;
	[tilespmem:$0x1D000] =	vst v63  }
0x3d: {  	_ =	swait.ge [sflag:s25], $0x800  }
0x3e: {  	[sflag:s25] =	ssyncset.done $0x0  }
0x3f: {  	s17 =	rddreg [dreg:$0x7];
	[sflag:s25] =	ssyncadd.s32 $0xFFFFF800  }
0x40: {  	[spmem:s17] =	stream.linear.scatter [tilespmem:s24], [sflag:$0x3], $0x4000, $0x38;
	[tilespmem:$0x1D000] =	vst v63  }
0x41: {  	_ =	swait.ge [sflag:s25], $0x4000  }
0x42: {  	[sflag:s25] =	ssyncset.done $0x0  }
0x43: {  	s18 =	rddreg [dreg:$0x8];
	[sflag:s25] =	ssyncadd.s32 $0xFFFFC000  }
0x44: {  	[spmem:s18] =	stream.linear.scatter [tilespmem:s26], [sflag:$0x3], $0x800, $0x38;
	[tilespmem:$0x1D000] =	vst v63  }
0x45: {  	_ =	swait.ge [sflag:s25], $0x800  }
0x46: {  	[sflag:s25] =	ssyncset.done $0x0  }
0x47: {  	s19 =	rddreg [dreg:$0x9];
	[sflag:s25] =	ssyncadd.s32 $0xFFFFF800  }
0x48: {  	[spmem:s19] =	stream.linear.scatter [tilespmem:s24], [sflag:$0x3], $0x4000, $0x38;
	[tilespmem:$0x1D000] =	vst v63  }
0x49: {  	_ =	swait.ge [sflag:s25], $0x4000  }
0x4a: {  	[sflag:s25] =	ssyncset.done $0x0  }
0x4b: {  	s21 =	rddreg [dreg:$0xa];
	[sflag:s25] =	ssyncadd.s32 $0xFFFFC000  }
0x4c: {  	[spmem:s21] =	stream.linear.scatter [tilespmem:s26], [sflag:$0x3], $0x800, $0x38;
	[tilespmem:$0x1D000] =	vst v63  }
0x4d: {  	_ =	swait.ge [sflag:s25], $0x800  }
0x4e: {  	[sflag:s25] =	ssyncset.done $0x0  }
0x4f: {  	s22 =	rddreg [dreg:$0xb];
	[sflag:s25] =	ssyncadd.s32 $0xFFFFF800  }
0x50: {  	[spmem:s22] =	stream.linear.scatter [tilespmem:s24], [sflag:$0x3], $0x4000, $0x38;
	[tilespmem:$0x1D000] =	vst v63  }
0x51: {  	_ =	swait.ge [sflag:s25], $0x4000  }
0x52: {  	[sflag:s25] =	ssyncset.done $0x0  }
0x53: {  	s23 =	rddreg [dreg:$0xc];
	[sflag:s25] =	ssyncadd.s32 $0xFFFFC000  }
0x54: {  	[spmem:s23] =	stream.linear.scatter [tilespmem:s26], [sflag:$0x3], $0x800, $0x38;
	[tilespmem:$0x1D000] =	vst v63  }
0x55: {  	_ =	swait.ge [sflag:s25], $0x800  }
0x56: {  	[sflag:s25] =	ssyncset.done $0x0  }
0x57: {  	[sflag:s25] =	ssyncadd.s32 $0xFFFFF800  }
0x58: {  	s13 =	simm.s32 $0x0;
	s14 =	simm.s32 $0x0;
	[bflag:$0x0] =	sbarrier.arrive $0xFFFF  }
.LBB2_4:
0x59: {  	s15 =	sshll.u32 s14, $0xB  }
0x5a: {  	s15 =	sadd.s32 s20, s15  }
0x5b: {  	s15 =	sshrl.u32 s15, $0x3  }
0x5c: {  	s16 =	sadd.s32 s9, s15  }
0x5d: {  	[tilespmem:s28], [sflag:$0x3] =	stream.linear.gather [hbm4b:s16+s13], $0x800, $0x38;
	[tilespmem:$0x1D000] =	vst v63  }
0x5e: {  	_ =	swait.ge [sflag:s25], $0x800  }
0x5f: {  	[sflag:s25] =	ssyncset.done $0x0  }
0x60: {  	s15 =	sadd.s32 s1, s15;
	[sflag:s25] =	ssyncadd.s32 $0xFFFFF800  }
0x61: {  	[tilespmem:s29], [sflag:$0x3] =	stream.linear.gather [hbm4b:s15+s13], $0x800, $0x38;
	[tilespmem:$0x1D000] =	vst v63  }
0x62: {  	_ =	swait.ge [sflag:s25], $0x800  }
0x63: {  	[sflag:s25] =	ssyncset.done $0x0  }
0x64: {  	s15 =	simm.s32 $0x0;
	[sflag:s25] =	ssyncadd.s32 $0xFFFFF800  }
.LBB2_5:
0x65: {  	s16 =	sshll.u32 s15, $0x7  }
0x66: {  	s17 =	sadd.s32 $0x16800, s16  }
0x67: {  	[tilespmem:s24], [sflag:$0x1] =	stream.indirect.gather [hbm4b:s6+s30], $0x80, s17, s30, $0xb8;
	[tilespmem:$0x1D000] =	vst v63  }
0x68: {  	_ = 	snop  }
0x69: {  	[tilespmem:s31], [sflag:$0x2] =	stream.indirect.gather [hbm4b:s7+s30], $0x10, s17, s30, $0xb8;
	[tilespmem:$0x1D000] =	vst v63  }
0x6a: {  	s16 =	sadd.s32 $0x17000, s16  }
0x6b: {  	[tilespmem:s2], [sflag:$0x2] =	stream.indirect.gather [hbm4b:s8+s30], $0x10, s16, s30, $0xb8;
	[tilespmem:$0x1D000] =	vst v63  }
0x6c: {  	_ =	swait.ge [sflag:s0], $0x800  }
0x6d: {  	[sflag:s0] =	ssyncset.done $0x0  }
0x6e: {  	[sflag:s0] =	ssyncadd.s32 $0xFFFFF800  }
0x6f: {  	_ =	swait.ge [sflag:s0], $0x800  }
0x70: {  	[sflag:s0] =	ssyncset.done $0x0  }
0x71: {  	s17 =	simm.s32 $0x0;
	[sflag:s0] =	ssyncadd.s32 $0xFFFFF800  }
0x72: {  	v1 =	vld [tilespmem:s17+$0x1B800]  }
0x73: {  	v2 =	vld [tilespmem:s17+$0x1C000];
	_ =	sdelay $0x4  }
0x74: {  	v1 =	vadd.f32 v2, v1;
	_ =	sdelay $0x1  }
0x75: {  	s18 =	simm.s32 $0x10;
	v2 =	vmul.f32 $2.000000030e-01, v1  }
0x76: {  	v3 =	vld [tilespmem:s18+$0x1B800]  }
0x77: {  	v4 =	vld [tilespmem:s18+$0x1C000];
	v1 =	vmax.f32 v1, v2  }
0x78: {  	s21 =	simm.s32 $0x20;
	v1 =	vmul.f32 $1.442695020e+00, v1  }
0x79: {  	v2 =	vld [tilespmem:s21+$0x1B800]  }
0x7a: {  	(erf) = vpow2.f32 v1;
	v1 =	vld [tilespmem:s21+$0x1C000];
	_ =	sdelay $0x1  }
0x7b: {  	v3 =	vadd.f32 v4, v3;
	_ =	sdelay $0x1  }
0x7c: {  	v4 =	vmul.f32 $2.000000030e-01, v3  }
0x7d: {  	v5 =	vadd.f32 v1, v2  }
0x7e: {  	v1 =	vmax.f32 v3, v4  }
0x7f: {  	s19 =	simm.s32 $0x30;
	v2 =	vmul.f32 $1.442695020e+00, v1;
	v3 =	vmul.f32 $2.000000030e-01, v5  }
0x80: {  	v1 =	vld [tilespmem:s19+$0x1B800]  }
0x81: {  	(erf) = vpow2.f32 v2;
	v2 =	vld [tilespmem:s19+$0x1C000];
	_ =	sdelay $0x1  }
0x82: {  	s22 =	simm.s32 $0x100;
	v4 =	vmax.f32 v5, v3;
	v3 =	vpop (erf)  }
.LBB2_6:
0x83: {  	s23 =	sshra.s32 s22, $0x2  }
0x84: {  	v4 =	vmul.f32 $1.442695020e+00, v4;
	[tilespmem:s17+$0x1C800] =	vst v3;
	s17 =	smov.u32 s18;
	s18 =	smov.u32 s21;
	p0 =	sne.s32 s22, $0x1FC0  }
.Ltmp1:
0x85: {  	s22 =	sadd.s32 $0x40, s22;
	v3 =	vadd.f32 v2, v1;
	v1 =	vld [tilespmem:s23+$0x1B800];
	(pc) =	sbr.rel @p0 .LBB2_6-.Ltmp1, $3  }
0x86: {  	s21 =	smov.u32 s19;
	s19 =	smov.u32 s23;
	v2 =	vld [tilespmem:s23+$0x1C000];
	(erf) = vpow2.f32 v4  }
0x87: {  	v4 =	vmul.f32 $2.000000030e-01, v3;
	_ =	sdelay $0x1  }
0x88: {  	v4 =	vmax.f32 v3, v4;
	v3 =	vpop (erf)  }
0x89: {  	_ = 	snop  }
0x8a: {  	v1 =	vadd.f32 v2, v1;
	_ =	sdelay $0x1  }
0x8b: {  	v2 =	vmul.f32 $2.000000030e-01, v1;
	_ =	sdelay $0x1  }
0x8c: {  	v4 =	vmul.f32 $1.442695020e+00, v4;
	v1 =	vmax.f32 v1, v2  }
0x8d: {  	v1 =	vmul.f32 $1.442695020e+00, v1  }
0x8e: {  	(erf) = vpow2.f32 v4  }
0x8f: {  	(erf) = vpow2.f32 v1;
	_ =	sdelay $0x6  }
0x90: {  	[tilespmem:s17+$0x1C800] =	vst v3;
	v1 =	vpop (erf)  }
0x91: {  	[tilespmem:s18+$0x1C800] =	vst v1;
	v1 =	vpop (erf)  }
0x92: {  	[tilespmem:s21+$0x1C800] =	vst v1;
	v1 =	vpop (erf)  }
0x93: {  	[tilespmem:s19+$0x1C800] =	vst v1  }
0x94: {  	_ =	swait.ge [sflag:s12], $0x4000  }
0x95: {  	[sflag:s12] =	ssyncset.done $0x0  }
0x96: {  	s17 =	simm.s32 $0x17840;
	[sflag:s12] =	ssyncadd.s32 $0xFFFFC000  }
0x97: {  	s18 =	simm.s32 $0x17840;
	s21 =	simm.s32 $0x0;
	s19 =	simm.s32 $0x40;
	v1 =	vld [tilespmem:s17+$0xFFFFFFF0]  }
.LBB2_8:
0x98: {  	p0 =	sne.s32 s19, $0x1FC0;
	v2 =	vld [tilespmem:s21+$0x1C800]  }
0x99: {  	v3 =	vld [tilespmem:s17+$0xFFFFFFD0]  }
0x9a: {  	v4 =	vld [tilespmem:s17+$0xFFFFFFC0]  }
0x9b: {  	v5 =	vld [tilespmem:s17+$0xFFFFFFE0]  }
0x9c: {  	v6 =	vld [tilespmem:s17+$0x30]  }
0x9d: {  	v7 =	vbroadcast v2, $0x0;
	v8 =	vbroadcast v2, $0x1;
	v9 =	vld [tilespmem:s17+$0x10]  }
0x9e: {  	v10 =	vbroadcast v2, $0x2;
	v11 =	vbroadcast v2, $0x3;
	v12 =	vld [tilespmem:s17+$0x0]  }
0x9f: {  	v4 =	vmul.f32 v7, v4;
	v3 =	vmul.f32 v3, v8;
	v7 =	vld [tilespmem:s17+$0x20]  }
0xa0: {  	v1 =	vmul.f32 v1, v11;
	v5 =	vmul.f32 v5, v10  }
0xa1: {  	v8 =	vbroadcast v2, $0x5;
	[tilespmem:s17+$0xFFFFFFC0] =	vst v4;
	v4 =	vbroadcast v2, $0x4  }
0xa2: {  	[tilespmem:s17+$0xFFFFFFD0] =	vst v3;
	v3 =	vbroadcast v2, $0x6;
	v2 =	vbroadcast v2, $0x7  }
0xa3: {  	[tilespmem:s17+$0xFFFFFFE0] =	vst v5;
	v4 =	vmul.f32 v12, v4;
	v5 =	vmul.f32 v9, v8  }
.Ltmp2:
0xa4: {  	[tilespmem:s17+$0xFFFFFFF0] =	vst v1;
	v1 =	vmul.f32 v7, v3;
	v2 =	vmul.f32 v6, v2;
	(pc) =	sbr.rel @p0 .LBB2_8-.Ltmp2, $4  }
0xa5: {  	[tilespmem:s17+$0x0] =	vst v4  }
0xa6: {  	[tilespmem:s17+$0x10] =	vst v5  }
0xa7: {  	s17 =	sadd.s32 $0x80, s17;
	[tilespmem:s18+$0x20] =	vst v1  }
0xa8: {  	s21 =	sshra.s32 s19, $0x2;
	s19 =	sadd.s32 $0x40, s19;
	v1 =	vld [tilespmem:s17+$0xFFFFFFF0];
	[tilespmem:s18+$0x30] =	vst v2;
	s18 =	smov.u32 s17  }
0xa9: {  	v2 =	vld [tilespmem:s21+$0x1C800];
	_ =	sdelay $0x1  }
0xaa: {  	v3 =	vld [tilespmem:s17+$0xFFFFFFC0]  }
0xab: {  	v4 =	vld [tilespmem:s17+$0xFFFFFFD0]  }
0xac: {  	v5 =	vld [tilespmem:s17+$0xFFFFFFE0]  }
0xad: {  	v6 =	vbroadcast v2, $0x0  }
0xae: {  	v9 =	vld [tilespmem:s17+$0x10];
	v7 =	vbroadcast v2, $0x1  }
0xaf: {  	v8 =	vld [tilespmem:s17+$0x0];
	v10 =	vbroadcast v2, $0x2;
	v3 =	vmul.f32 v6, v3  }
0xb0: {  	v60 =	vld [tilespmem:s17+$0x20];
	v59 =	vbroadcast v2, $0x3;
	v4 =	vmul.f32 v4, v7  }
0xb1: {  	v11 =	vld [tilespmem:s17+$0x30];
	v61 =	vbroadcast v2, $0x5;
	v5 =	vmul.f32 v5, v10;
	[tilespmem:s17+$0xFFFFFFC0] =	vst v3  }
0xb2: {  	v1 =	vmul.f32 v1, v59;
	v3 =	vbroadcast v2, $0x4;
	[tilespmem:s17+$0xFFFFFFD0] =	vst v4  }
0xb3: {  	v62 =	vbroadcast v2, $0x6;
	v63 =	vmul.f32 v9, v61;
	[tilespmem:s17+$0xFFFFFFE0] =	vst v5  }
0xb4: {  	v2 =	vbroadcast v2, $0x7;
	[tilespmem:s17+$0xFFFFFFF0] =	vst v1;
	v3 =	vmul.f32 v8, v3  }
0xb5: {  	v1 =	vmul.f32 v60, v62;
	[tilespmem:s17+$0x10] =	vst v63  }
0xb6: {  	v2 =	vmul.f32 v11, v2;
	[tilespmem:s17+$0x0] =	vst v3  }
0xb7: {  	[tilespmem:s18+$0x20] =	vst v1  }
0xb8: {  	[tilespmem:s18+$0x30] =	vst v2  }
0xb9: {  	[spmem:s3] =	stream.indirect.scatter.add.f32 [tilespmem:s24], [sflag:$0x3], $0x80, s16, s30, $0xb8;
	[tilespmem:$0x1D000] =	vst v63  }
0xba: {  	s15 =	sadd.s32 $0x1, s15;
	_ =	swait.ge [sflag:s25], $0x4000  }
0xbb: {  	p0 =	sne.s32 s15, $0x10;
	[sflag:s25] =	ssyncset.done $0x0  }
.Ltmp3:
0xbc: {  	[sflag:s25] =	ssyncadd.s32 $0xFFFFC000;
	(pc) =	sbr.rel @p0 .LBB2_5-.Ltmp3, $4  }
0xbd: {  	[spmem:s4] =	stream.indirect.scatter.add.f32 [tilespmem:s26], [sflag:$0x3], $0x10, s16, s30, $0xb8;
	[tilespmem:$0x1D000] =	vst v63  }
0xbe: {  	_ =	swait.ge [sflag:s25], $0x800  }
0xbf: {  	[sflag:s25] =	ssyncset.done $0x0  }
0xc0: {  	[sflag:s25] =	ssyncadd.s32 $0xFFFFF800  }
0xc1: {  	s14 =	sadd.s32 $0x1, s14  }
0xc2: {  	p0 =	sne.s32 s14, $0x5  }
.Ltmp4:
0xc3: {  	_ = 	snop;
	(pc) =	sbr.rel @p0 .LBB2_4-.Ltmp4, $1  }
0xc4: {  	_ =	sdelay $0x3  }
0xc5: {  	s13 =	stileid.u32  }
0xc6: {  	[bflag:$0x0] =	sbarrier.arrive $0xFFFF;
	s13 =	sshll.u32 s13, $0x6  }
0xc7: {  	s14 =	sshrl.u32 s10, $0x3;
	s15 =	rddreg [dreg:$0xd];
	s13 =	sor.u32 $0x1C03, s13  }
0xc8: {  	[hbm:s15], [sflag:s13] =	dma.local [spmem:s14], $0x2800  }
0xc9: {  	_ =	swait.ge [sflag:s25], $0x2800  }
0xca: {  	[sflag:s25] =	ssyncset.done $0x0  }
0xcb: {  	s21 =	sshrl.u32 s11, $0x3;
	s22 =	rddreg [dreg:$0xe];
	[sflag:s25] =	ssyncadd.s32 $0xFFFFD800  }
0xcc: {  	[hbm:s22], [sflag:s13] =	dma.local [spmem:s21], $0x500  }
0xcd: {  	_ =	swait.ge [sflag:s25], $0x500  }
0xce: {  	s5 =	sadd.s32 $0x1, s5;
	s23 =	rddreg [dreg:$0xf]  }
0xcf: {  	p0 =	sne.s32 s5, s23  }
.Ltmp5:
0xd0: {  	_ = 	snop;
	(pc) =	sbr.rel @p0 .LBB2_1-.Ltmp5, $3  }
0xd1: {  	_ =	sdelay $0x1  }
0xd2: {  	[sflag:s25] =	ssyncset.done $0x0  }
0xd3: {  	[sflag:s25] =	ssyncadd.s32 $0xFFFFFB00  }
0xd4: {  	_ =	sfence.sel $0x180000  }
0xd5: {  	[bflag:$0x0] =	sbarrier.arrive $0xFFFF  }
0xd6: {  	_ =	strace $0x9000004A  }
0xd7: {  	s0 =	stileid.u32;
	[bflag:$0x2] =	sbarrier.arrive $0xFFFF  }
0xd8: {  	p0 =	sne.s32 s0, $0x0;
	s0 =	rddreg [dreg:$0x4]  }
0xd9: {  	s0 =	sadd.s32 @!p0 $0x100000, s0  }
0xda: {  	[sflag:s0] =	ssyncadd.tile.s32 @!p0 $0x1;
	_ =	shalt  }
.Lfunc_end2:
_tile_overlayer_lowered:
.L_overlay_start_2:
0xdb: {  	(tag) =	ssettag $0x2  }
0xdc: {  	s0 =	rddreg [dreg:$0x0];
	s2 =	stileid.u32  }
0xdd: {  	s1 =	rddreg [dreg:$0x1];
	p0 =	sne.s32 s2, $0x0  }
0xde: {  	s3 =	rddreg [dreg:$0x2];
	[bflag:$0x3] =	sbarrier.arrive $0xFFFF;
	s2 =	simm.s32 @!p0 $0x1C03  }
0xdf: {  	[timem:s3], [sflag:s2] =	dma.local @!p0 [hbm:s0], s1  }
0xe0: {  	s0 =	simm.s32 @!p0 $0x3  }
0xe1: {  	_ =	swait.ge @!p0 [sflag:s0], s1  }
0xe2: {  	s1 =	ssub.s32 @!p0 $0x0, s1;
	[sflag:s0] =	ssyncset.done @!p0 $0x0  }
0xe3: {  	[sflag:s0] =	ssyncadd.s32 @!p0 s1  }
0xe4: {  	[bflag:$0x3] =	sbarrier.arrive $0xFFFF  }
0xe5: {  	_ =	shalt  }

// kernel: kernel.9.cloned.1.call-start
scs
__scs_entry_jumppad:
0x0: {  	(pc) =	sbr.rel $0x88, $3  }
0x1: {  	(tag) =	ssettag $0x0;
	lr =	simm.s32 $0x1  }
0x2: {  	[smem:$0x3F99] =	sst lr;
	_ =	strace $0xD0000000  }
0x3: {  	_ = 	snop  }
0x4: {  	_ = 	snop  }
0x5: {  	_ = 	snop  }
0x6: {  	_ = 	snop  }
0x7: {  	_ = 	snop  }
__scs_overlays_trampoline_lowered:
0x8: {  	[smem:$0x3FA8] =	sst s0  }
0x9: {  	[smem:$0x3FA9] =	sst s1  }
0xa: {  	[smem:$0x3FAA] =	sst s2  }
0xb: {  	[smem:$0x3FAB] =	sst s3  }
0xc: {  	[smem:$0x3FAC] =	sst s4  }
0xd: {  	[smem:$0x3FAD] =	sst s5  }
0xe: {  	[smem:$0x3FAE] =	sst s6  }
0xf: {  	[smem:$0x3FAF] =	sst s7  }
0x10: {  	[smem:$0x3FB0] =	sst s8  }
0x11: {  	[smem:$0x3FB1] =	sst s9;
	s0 =	simm.s32 @!p0 $0x0  }
0x12: {  	s1 =	sld [smem:$0x3F97];
	s0 =	simm.s32 @p0 $0x1  }
0x13: {  	[smem:$0x3FB2] =	sst s0;
	s0 =	simm.s32 @!p1 $0x0  }
0x14: {  	s2 =	sld [smem:$0x3F96];
	s0 =	simm.s32 @p1 $0x1  }
0x15: {  	[smem:$0x3FB3] =	sst s0;
	s0 =	simm.s32 @!p2 $0x0  }
0x16: {  	s3 =	sld [smem:$0x3FDB];
	s0 =	simm.s32 @p2 $0x1  }
0x17: {  	s4 =	simm.s32 $0x1BF5;
	[smem:$0x3FB5] =	sst s0  }
0x18: {  	s0 =	sld [smem:$0x3F98];
	_ =	swait.ge [sflag:s4], $0x0  }
0x19: {  	s7 =	sld [smem:$0x3F99]  }
0x1a: {  	s8 =	sadd.s32 $0xFFFFE003, lr  }
0x1b: {  	s9 =	sadd.s32 $0xFFFFFEF7, lr;
	s5 =	simm.s32 $0xFFFFFFFF;
	p2 =	slt.u32 s8, $0xFFFFF086  }
0x1c: {  	p1 =	slt.u32 s9, $0xF7A;
	s5 =	simm.s32 @!p2 $0x0  }
0x1d: {  	s5 =	simm.s32 @p1 $0x1;
	p0 =	seq.s32 s7, s2  }
0x1e: {  	s7 =	smul.u32 @!p0 $0xF7A, s2;
	p2 =	seq.s32 @!p0 s5, $0x0  }
0x1f: {  	s9 =	smul.u32 $0xF7A, s1;
	s8 =	simm.s32 @!p0 $0x1BF5;
	p2 =	por !p2, p0  }
0x20: {  	[sflag:s8] =	ssyncset.s32 @!p0 $0xFFFFF086;
	s6 =	sadd.s32 @!p0 s3, s7;
	s7 =	simm.s32 @!p0 $0x108  }
0x21: {  	s3 =	sadd.s32 s3, s9;
	s6 =	sadd.s32 @!p0 $0x88, s6;
	s7 =	simm.s32 @p2 $0x1082  }
0x22: {  	[simem:s7], [sflag:s8] =	dma.local @!p0 [hbm:s6], $0xF7A  }
0x23: {  	s9 =	sor.u32 $0xD0000000, s2;
	s6 =	simm.s32 $0x108;
	_ =	swait.ge @!p0 [sflag:s8], $0x0  }
0x24: {  	s3 =	sadd.s32 $0x88, s3;
	s6 =	simm.s32 @!p1 $0x1082;
	[sflag:s4] =	ssyncset.s32 $0xFFFFF086  }
0x25: {  	[simem:s6], [sflag:s4] =	dma.local [hbm:s3], $0xF7A  }
0x26: {  	[smem:$0x3F99] =	sst s1;
	(tag) =	ssettag s2;
	_ =	strace s9  }
0x27: {  	s1 =	sld [smem:$0x3FA9]  }
0x28: {  	s2 =	sld [smem:$0x3FAA]  }
0x29: {  	s4 =	sld [smem:$0x3FAC]  }
0x2a: {  	p0 =	seq.s32 s5, $0x0;
	s5 =	sld [smem:$0x3FAD]  }
0x2b: {  	s6 =	sld [smem:$0x3FAE]  }
0x2c: {  	s7 =	sld [smem:$0x3FAF]  }
0x2d: {  	s3 =	simm.s32 $0x108;
	s8 =	sld [smem:$0x3FB0]  }
0x2e: {  	s3 =	simm.s32 @!p0 $0x1082;
	s9 =	sld [smem:$0x3FB1]  }
0x2f: {  	lr =	sadd.s32 s0, s3;
	s0 =	sld [smem:$0x3FA8]  }
0x30: {  	s3 =	sld [smem:$0x3FAB]  }
0x31: {  	[smem:$0x3FB4] =	sst s10  }
0x32: {  	s10 =	sld [smem:$0x3FB2];
	_ =	sdelay $0x3  }
0x33: {  	p0 =	seq.s32 s10, $0x1;
	s10 =	sld [smem:$0x3FB4];
	_ =	sdelay $0x3  }
0x34: {  	[smem:$0x3FB4] =	sst s10  }
0x35: {  	s10 =	sld [smem:$0x3FB3];
	_ =	sdelay $0x3  }
0x36: {  	p1 =	seq.s32 s10, $0x1;
	s10 =	sld [smem:$0x3FB4];
	_ =	sdelay $0x3  }
0x37: {  	[smem:$0x3FB4] =	sst s10  }
0x38: {  	s10 =	sld [smem:$0x3FB5]  }
0x39: {  	_ = 	snop;
	(pc) =	sbr.ind lr, $3  }
0x3a: {  	_ = 	snop  }
0x3b: {  	_ = 	snop  }
0x3c: {  	p2 =	seq.s32 s10, $0x1;
	s10 =	sld [smem:$0x3FB4]  }
0x3d: {  	_ =	shalt  }
0x3e: {  	_ =	shalt  }
0x3f: {  	_ =	shalt  }
0x40: {  	_ =	shalt  }
0x41: {  	_ =	shalt  }
0x42: {  	_ =	shalt  }
0x43: {  	_ =	shalt  }
0x44: {  	_ =	shalt  }
0x45: {  	_ =	shalt  }
0x46: {  	_ =	shalt  }
0x47: {  	_ =	shalt  }
0x48: {  	_ =	shalt  }
0x49: {  	_ =	shalt  }
0x4a: {  	_ =	shalt  }
0x4b: {  	_ =	shalt  }
0x4c: {  	_ =	shalt  }
0x4d: {  	_ =	shalt  }
0x4e: {  	_ =	shalt  }
0x4f: {  	_ =	shalt  }
0x50: {  	_ =	shalt  }
0x51: {  	_ =	shalt  }
0x52: {  	_ =	shalt  }
0x53: {  	_ =	shalt  }
0x54: {  	_ =	shalt  }
0x55: {  	_ =	shalt  }
0x56: {  	_ =	shalt  }
0x57: {  	_ =	shalt  }
0x58: {  	_ =	shalt  }
0x59: {  	_ =	shalt  }
0x5a: {  	_ =	shalt  }
0x5b: {  	_ =	shalt  }
0x5c: {  	_ =	shalt  }
0x5d: {  	_ =	shalt  }
0x5e: {  	_ =	shalt  }
0x5f: {  	_ =	shalt  }
0x60: {  	_ =	shalt  }
0x61: {  	_ =	shalt  }
0x62: {  	_ =	shalt  }
0x63: {  	_ =	shalt  }
0x64: {  	_ =	shalt  }
0x65: {  	_ =	shalt  }
0x66: {  	_ =	shalt  }
0x67: {  	_ =	shalt  }
0x68: {  	_ =	shalt  }
0x69: {  	_ =	shalt  }
0x6a: {  	_ =	shalt  }
0x6b: {  	_ =	shalt  }
0x6c: {  	_ =	shalt  }
0x6d: {  	_ =	shalt  }
0x6e: {  	_ =	shalt  }
0x6f: {  	_ =	shalt  }
0x70: {  	_ =	shalt  }
0x71: {  	_ =	shalt  }
0x72: {  	_ =	shalt  }
0x73: {  	_ =	shalt  }
0x74: {  	_ =	shalt  }
0x75: {  	_ =	shalt  }
0x76: {  	_ =	shalt  }
0x77: {  	_ =	shalt  }
0x78: {  	_ =	shalt  }
0x79: {  	_ =	shalt  }
0x7a: {  	_ =	shalt  }
0x7b: {  	_ =	shalt  }
0x7c: {  	_ =	shalt  }
0x7d: {  	_ =	shalt  }
0x7e: {  	_ =	shalt  }
0x7f: {  	_ =	shalt  }
0x80: {  	_ =	shalt  }
0x81: {  	_ =	shalt  }
0x82: {  	_ =	shalt  }
0x83: {  	_ =	shalt  }
0x84: {  	_ =	shalt  }
0x85: {  	_ =	shalt  }
0x86: {  	_ =	shalt  }
0x87: {  	_ =	shalt  }
.Lfunc_end0:
.L_simem_size_0:
called_computation.1_lowered:
.L_overlay_start_0:
0x88: {  	s2 =	sld [smem:$0x3FD9]  }
0x89: {  	s3 =	sld [smem:$0x3FFE];
	_ =	sdelay $0x1  }
0x8a: {  	s1 =	srdreg.scid  }
0x8b: {  	s0 =	sand.u32 $0x1, s1  }
0x8c: {  	s17 =	sshll.u32 s0, $0xA;
	s2 =	sadd.s32 s3, s2  }
0x8d: {  	s2 =	sadd.s32 s2, s17  }
0x8e: {  	[smem:$0x3FC0] =	sst s2  }
0x8f: {  	_ = 	snop  }
0x90: {  	s2 =	sld [smem:$0x3FD0];
	(tm) =	ssettm $0x1  }
0x91: {  	s18 =	sld [smem:$0x3FFB];
	_ =	sdelay $0x3  }
0x92: {  	_ =	strace s18  }
0x93: {  	s3 =	sld [smem:$0x3FFC];
	_ =	sdelay $0x3  }
0x94: {  	_ =	strace s3  }
0x95: {  	s3 =	sld [smem:$0x3FFD];
	_ =	sdelay $0x3  }
0x96: {  	_ =	strace s3  }
0x97: {  	_ =	strace $0x8FFFFFFF  }
0x98: {  	s19 =	sld [smem:$0x3FDB];
	_ =	sdelay $0x1  }
0x99: {  	s4 =	simm.s32 $_scs_section_size  }
0x9a: {  	s5 =	simm.s32 $_size__tile_overlayer_lowered;
	s6 =	simm.s32 $_tile_overlayer_lowered  }
0x9b: {  	s22 =	simm.s32 $0x1BFF;
	s21 =	sshll.u32 s6, $0x1;
	s3 =	sadd.s32 s4, s19  }
0x9c: {  	s7 =	simm.s32 $0x0;
	s20 =	sshll.u32 s5, $0x1;
	s5 =	sadd.s32 s21, s3  }
0x9d: {  	[timem:s7], [sflag:s22] =	dma.local [hbm:s5], s20  }
0x9e: {  	_ =	swait.ge [sflag:s22], s20  }
0x9f: {  	s4 =	ssub.s32 $0x0, s20;
	[sflag:s22] =	ssyncset.done $0x0  }
0xa0: {  	[sflag:s22] =	ssyncadd.s32 s4;
	_ =	sdelay $0x1  }
0xa1: {  	s23 =	simm.s32 $0x1B8B  }
0xa2: {  	_ =	swait.ge [sflag:s23], $0x1  }
0xa3: {  	[sflag:s23] =	ssyncset.done $0x0  }
0xa4: {  	s25 =	simm.s32 $0x1B8E;
	s24 =	sld [smem:$0x3FFE];
	[sflag:s23] =	ssyncadd.s32 $0xFFFFFFFF  }
0xa5: {  	s26 =	simm.s32 $execute0_lowered;
	[smem:$0x3FD2] =	sst s25  }
0xa6: {  	s5 =	sshll.u32 s26, $0x1;
	_ =	strace $0x80000046;
	[dreg:$0x1] =	wrdreg $0xFFFFFFFF  }
0xa7: {  	s28 =	simm.s32 $_size_execute0_lowered;
	s3 =	sadd.s32 s3, s5;
	[dreg:$0x0] =	wrdreg $0x0  }
0xa8: {  	s5 =	sshll.u32 s28, $0x1;
	[dreg:$0x2] =	wrdreg s3  }
0xa9: {  	[dreg:$0x3] =	wrdreg s5  }
0xaa: {  	[dreg:$0x4] =	wrdreg $0xC0  }
0xab: {  	_ =	task [dreg:s7], $0x5FFFF  }
0xac: {  	[dreg:$0x1] =	wrdreg $0xFFFFFFFF  }
0xad: {  	[dreg:$0x0] =	wrdreg $0x60  }
0xae: {  	[dreg:$0x2] =	wrdreg s24  }
0xaf: {  	[dreg:$0x3] =	wrdreg s2  }
0xb0: {  	[dreg:$0x4] =	wrdreg $0x0  }
0xb1: {  	[dreg:$0x5] =	wrdreg $0x140000  }
0xb2: {  	[dreg:$0x6] =	wrdreg $0xA  }
0xb3: {  	_ =	task.clear_ibuf [dreg:s7], $0x7FFFF;
	_ =	strace $0x90000046  }
0xb4: {  	s29 =	simm.s32 $0xA;
	_ =	strace $0x80000048  }
0xb5: {  	_ =	swait.ge [sflag:s29], $0x1  }
0xb6: {  	[sflag:s29] =	ssyncadd.s32 $0xFFFFFFFF  }
0xb7: {  	_ =	strace $0x90000048  }
0xb8: {  	_ =	sfence  }
0xb9: {  	s30 =	sld [smem:$0x0];
	_ =	sdelay $0x2  }
0xba: {  	s31 =	sshll.u32 s1, $0xD;
	s1 =	sshrl.u32 s1, $0x2  }
0xbb: {  	s3 =	sand.u32 $0x4000, s31;
	s1 =	sadd.s32 s1, s30  }
0xbc: {  	s0 =	sor.u32 s3, s0;
	s1 =	sshll.u32 s1, $0x11  }
0xbd: {  	s0 =	sor.u32 s1, s0  }
0xbe: {  	s0 =	sadd.s32 $0x8F2B, s0  }
0xbf: {  	[sflag:s0] =	ssyncadd.remote.s32 $0x1  }
0xc0: {  	_ =	sfence.sel $0xFFFF  }
0xc1: {  	[dreg:$0x0] =	wrdreg $0xFFFFFFFF;
	(pc) =	sbr.abs _section_cstart, $3  }
0xc2: {  	[dreg:$0x1] =	wrdreg $0xFFFFFFFF  }
0xc3: {  	_ =	task.clear_ibuf [dreg:s7], $0x2FFFF;
	_ =	strace $0x9FFFFFFF  }
0xc4: {  	(tm) =	ssettm $0x7FFFFFFF  }
0xc5: {  	_ =	shalt  }
tec
execute0_lowered:
.L_overlay_start_1:
0x0: {  	(tag) =	ssettag $0x1  }
0x1: {  	s0 =	rddreg [dreg:$0x0]  }
0x2: {  	s1 =	rddreg [dreg:$0x1]  }
0x3: {  	s3 =	rddreg [dreg:$0x2]  }
0x4: {  	s2 =	srdreg.scid;
	s17 =	stileid.u32  }
0x5: {  	s4 =	rddreg [dreg:$0x3];
	s5 =	simm.s32 $0x0;
	s28 =	simm.s32 $0x16800  }
0x6: {  	s29 =	simm.s32 $0x17000;
	s30 =	simm.s32 $0x80;
	s10 =	smul.u32 $0x14000, s17  }
0x7: {  	s31 =	simm.s32 $0x1B800;
	s2 =	sand.u32 $0x1, s2;
	s11 =	smul.u32 $0x2800, s17  }
0x8: {  	[smem:$0x7FF] =	sst s5;
	s6 =	sadd.s32 $0x800, s0;
	s16 =	smul.u32 $0x280, s17  }
0x9: {  	s7 =	sadd.s32 $0xA0800, s0;
	s8 =	sadd.s32 $0x28800, s0;
	s9 =	smul.u32 $0x140000, s2  }
0xa: {  	s12 =	smul.u32 $0x28000, s2;
	s14 =	ssub.s32 $0x2, s2;
	s2 =	sshll.u32 s2, $0x4  }
0xb: {  	_ =	strace $0x80000047;
	s15 =	sshrl.u32 s14, $0x1;
	s2 =	sor.u32 s17, s2  }
0xc: {  	s24 =	sadd.s32 $0x80, s16;
	s26 =	sadd.s32 $0x100, s16;
	s19 =	sadd.s32 $0x180, s16  }
0xd: {  	s16 =	sadd.s32 $0x200, s16;
	s13 =	sadd.s32 s10, s9;
	s9 =	sadd.s32 $0x2D800, s0  }
0xe: {  	s12 =	sadd.s32 s11, s12;
	s10 =	sadd.s32 s10, s3;
	s11 =	sadd.s32 s11, s4  }
0xf: {  	s25 =	sshll.u32 s24, $0x7;
	s18 =	sshll.u32 s26, $0x4;
	s22 =	sshll.u32 s16, $0x7  }
0x10: {  	s13 =	sshrl.u32 s13, $0x3;
	s12 =	sshrl.u32 s12, $0x3;
	s23 =	sadd.s32 s22, s3  }
0x11: {  	s13 =	sadd.s32 s13, s0;
	s0 =	sadd.s32 s12, s0;
	s12 =	ssub.s32 s14, s15  }
0x12: {  	s14 =	sshll.u32 s24, $0x4;
	s15 =	sadd.s32 s25, s3;
	[dreg:$0xb] =	wrdreg s23  }
0x13: {  	s20 =	sshll.u32 s19, $0x7;
	[dreg:$0x5] =	wrdreg s15;
	s14 =	sadd.s32 s14, s4  }
0x14: {  	s21 =	sshll.u32 s19, $0x4;
	s25 =	sadd.s32 $0xA5800, s13;
	[dreg:$0x6] =	wrdreg s14  }
0x15: {  	s24 =	sshll.u32 s16, $0x4;
	s0 =	sadd.s32 $0x37800, s0;
	[dreg:$0xd] =	wrdreg s25  }
0x16: {  	s15 =	sshll.u32 s26, $0x7;
	s26 =	smax.u32 s12, $0x1;
	[dreg:$0xe] =	wrdreg s0  }
0x17: {  	s12 =	simm.s32 $0x1;
	s14 =	sadd.s32 s15, s3;
	[dreg:$0xf] =	wrdreg s26  }
0x18: {  	s25 =	simm.s32 $0x3;
	[dreg:$0x7] =	wrdreg s14;
	s14 =	sadd.s32 s18, s4  }
0x19: {  	s26 =	simm.s32 $0x1C800;
	[dreg:$0x8] =	wrdreg s14;
	s14 =	sadd.s32 s20, s3  }
0x1a: {  	s0 =	simm.s32 $0x2;
	[dreg:$0x9] =	wrdreg s14;
	s14 =	sadd.s32 s21, s4  }
0x1b: {  	s20 =	smul.u32 $0x2800, s2;
	[dreg:$0xa] =	wrdreg s14;
	s14 =	sadd.s32 s24, s4  }
0x1c: {  	v0 =	vimm.f32 $0.0e+00;
	s2 =	simm.s32 $0x1C000;
	s24 =	simm.s32 $0x17800;
	[dreg:$0xc] =	wrdreg s14  }
.LBB2_1:
0x1d: {  	s14 =	simm.s32 $0x0  }
0x1e: {  	s13 =	simm.s32 $0x17840;
	[tilespmem:s14+$0x1C800] =	vst v0;
	s14 =	simm.s32 $0x40  }
.LBB2_2:
0x1f: {  	p0 =	sne.s32 s14, $0x1FC0;
	[tilespmem:s13+$0xFFFFFFC0] =	vst v0  }
0x20: {  	[tilespmem:s13+$0xFFFFFFD0] =	vst v0  }
0x21: {  	[tilespmem:s13+$0xFFFFFFE0] =	vst v0  }
0x22: {  	[tilespmem:s13+$0xFFFFFFF0] =	vst v0  }
.Ltmp0:
0x23: {  	[tilespmem:s13+$0x0] =	vst v0;
	(pc) =	sbr.rel @p0 .LBB2_2-.Ltmp0, $4  }
0x24: {  	[tilespmem:s13+$0x10] =	vst v0  }
0x25: {  	[tilespmem:s13+$0x20] =	vst v0  }
0x26: {  	s15 =	sshra.s32 s14, $0x2;
	[tilespmem:s13+$0x30] =	vst v0  }
0x27: {  	s14 =	sadd.s32 $0x40, s14;
	s13 =	sadd.s32 $0x80, s13;
	[tilespmem:s15+$0x1C800] =	vst v0  }
0x28: {  	[tilespmem:s13+$0xFFFFFFC0] =	vst v0  }
0x29: {  	[tilespmem:s13+$0xFFFFFFD0] =	vst v0  }
0x2a: {  	[tilespmem:s13+$0xFFFFFFE0] =	vst v0  }
0x2b: {  	[tilespmem:s13+$0xFFFFFFF0] =	vst v0  }
0x2c: {  	[tilespmem:s13+$0x0] =	vst v0  }
0x2d: {  	[tilespmem:s13+$0x10] =	vst v0  }
0x2e: {  	[tilespmem:s13+$0x20] =	vst v0  }
0x2f: {  	[tilespmem:s13+$0x30] =	vst v0  }
0x30: {  	[spmem:s10] =	stream.linear.scatter [tilespmem:s24], [sflag:$0x3], $0x4000, $0x38;
	[tilespmem:$0x1D000] =	vst v63  }
0x31: {  	_ =	swait.ge [sflag:s25], $0x4000  }
0x32: {  	[sflag:s25] =	ssyncset.done $0x0  }
0x33: {  	[sflag:s25] =	ssyncadd.s32 $0xFFFFC000  }
0x34: {  	[spmem:s11] =	stream.linear.scatter [tilespmem:s26], [sflag:$0x3], $0x800, $0x38;
	[tilespmem:$0x1D000] =	vst v63  }
0x35: {  	_ =	swait.ge [sflag:s25], $0x800  }
0x36: {  	[sflag:s25] =	ssyncset.done $0x0  }
0x37: {  	s15 =	rddreg [dreg:$0x5];
	[sflag:s25] =	ssyncadd.s32 $0xFFFFF800  }
0x38: {  	[spmem:s15] =	stream.linear.scatter [tilespmem:s24], [sflag:$0x3], $0x4000, $0x38;
	[tilespmem:$0x1D000] =	vst v63  }
0x39: {  	_ =	swait.ge [sflag:s25], $0x4000  }
0x3a: {  	[sflag:s25] =	ssyncset.done $0x0  }
0x3b: {  	s16 =	rddreg [dreg:$0x6];
	[sflag:s25] =	ssyncadd.s32 $0xFFFFC000  }
0x3c: {  	[spmem:s16] =	stream.linear.scatter [tilespmem:s26], [sflag:$0x3], $0x800, $0x38;
	[tilespmem:$0x1D000] =	vst v63  }
0x3d: {  	_ =	swait.ge [sflag:s25], $0x800  }
0x3e: {  	[sflag:s25] =	ssyncset.done $0x0  }
0x3f: {  	s17 =	rddreg [dreg:$0x7];
	[sflag:s25] =	ssyncadd.s32 $0xFFFFF800  }
0x40: {  	[spmem:s17] =	stream.linear.scatter [tilespmem:s24], [sflag:$0x3], $0x4000, $0x38;
	[tilespmem:$0x1D000] =	vst v63  }
0x41: {  	_ =	swait.ge [sflag:s25], $0x4000  }
0x42: {  	[sflag:s25] =	ssyncset.done $0x0  }
0x43: {  	s18 =	rddreg [dreg:$0x8];
	[sflag:s25] =	ssyncadd.s32 $0xFFFFC000  }
0x44: {  	[spmem:s18] =	stream.linear.scatter [tilespmem:s26], [sflag:$0x3], $0x800, $0x38;
	[tilespmem:$0x1D000] =	vst v63  }
0x45: {  	_ =	swait.ge [sflag:s25], $0x800  }
0x46: {  	[sflag:s25] =	ssyncset.done $0x0  }
0x47: {  	s19 =	rddreg [dreg:$0x9];
	[sflag:s25] =	ssyncadd.s32 $0xFFFFF800  }
0x48: {  	[spmem:s19] =	stream.linear.scatter [tilespmem:s24], [sflag:$0x3], $0x4000, $0x38;
	[tilespmem:$0x1D000] =	vst v63  }
0x49: {  	_ =	swait.ge [sflag:s25], $0x4000  }
0x4a: {  	[sflag:s25] =	ssyncset.done $0x0  }
0x4b: {  	s21 =	rddreg [dreg:$0xa];
	[sflag:s25] =	ssyncadd.s32 $0xFFFFC000  }
0x4c: {  	[spmem:s21] =	stream.linear.scatter [tilespmem:s26], [sflag:$0x3], $0x800, $0x38;
	[tilespmem:$0x1D000] =	vst v63  }
0x4d: {  	_ =	swait.ge [sflag:s25], $0x800  }
0x4e: {  	[sflag:s25] =	ssyncset.done $0x0  }
0x4f: {  	s22 =	rddreg [dreg:$0xb];
	[sflag:s25] =	ssyncadd.s32 $0xFFFFF800  }
0x50: {  	[spmem:s22] =	stream.linear.scatter [tilespmem:s24], [sflag:$0x3], $0x4000, $0x38;
	[tilespmem:$0x1D000] =	vst v63  }
0x51: {  	_ =	swait.ge [sflag:s25], $0x4000  }
0x52: {  	[sflag:s25] =	ssyncset.done $0x0  }
0x53: {  	s23 =	rddreg [dreg:$0xc];
	[sflag:s25] =	ssyncadd.s32 $0xFFFFC000  }
0x54: {  	[spmem:s23] =	stream.linear.scatter [tilespmem:s26], [sflag:$0x3], $0x800, $0x38;
	[tilespmem:$0x1D000] =	vst v63  }
0x55: {  	_ =	swait.ge [sflag:s25], $0x800  }
0x56: {  	[sflag:s25] =	ssyncset.done $0x0  }
0x57: {  	[sflag:s25] =	ssyncadd.s32 $0xFFFFF800  }
0x58: {  	s13 =	simm.s32 $0x0;
	s14 =	simm.s32 $0x0;
	[bflag:$0x0] =	sbarrier.arrive $0xFFFF  }
.LBB2_4:
0x59: {  	s15 =	sshll.u32 s14, $0xB  }
0x5a: {  	s15 =	sadd.s32 s20, s15  }
0x5b: {  	s15 =	sshrl.u32 s15, $0x3  }
0x5c: {  	s16 =	sadd.s32 s1, s15  }
0x5d: {  	[tilespmem:s28], [sflag:$0x3] =	stream.linear.gather [hbm4b:s16+s13], $0x800, $0x38;
	[tilespmem:$0x1D000] =	vst v63  }
0x5e: {  	_ =	swait.ge [sflag:s25], $0x800  }
0x5f: {  	[sflag:s25] =	ssyncset.done $0x0  }
0x60: {  	s15 =	sadd.s32 s9, s15;
	[sflag:s25] =	ssyncadd.s32 $0xFFFFF800  }
0x61: {  	[tilespmem:s29], [sflag:$0x3] =	stream.linear.gather [hbm4b:s15+s13], $0x800, $0x38;
	[tilespmem:$0x1D000] =	vst v63  }
0x62: {  	_ =	swait.ge [sflag:s25], $0x800  }
0x63: {  	[sflag:s25] =	ssyncset.done $0x0  }
0x64: {  	s15 =	simm.s32 $0x0;
	[sflag:s25] =	ssyncadd.s32 $0xFFFFF800  }
.LBB2_5:
0x65: {  	s16 =	sshll.u32 s15, $0x7  }
0x66: {  	s17 =	sadd.s32 $0x16800, s16  }
0x67: {  	[tilespmem:s24], [sflag:$0x1] =	stream.indirect.gather [hbm4b:s6+s30], $0x80, s17, s30, $0xb8;
	[tilespmem:$0x1D000] =	vst v63  }
0x68: {  	_ = 	snop  }
0x69: {  	[tilespmem:s31], [sflag:$0x2] =	stream.indirect.gather [hbm4b:s7+s30], $0x10, s17, s30, $0xb8;
	[tilespmem:$0x1D000] =	vst v63  }
0x6a: {  	s16 =	sadd.s32 $0x17000, s16  }
0x6b: {  	[tilespmem:s2], [sflag:$0x2] =	stream.indirect.gather [hbm4b:s8+s30], $0x10, s16, s30, $0xb8;
	[tilespmem:$0x1D000] =	vst v63  }
0x6c: {  	_ =	swait.ge [sflag:s0], $0x800  }
0x6d: {  	[sflag:s0] =	ssyncset.done $0x0  }
0x6e: {  	[sflag:s0] =	ssyncadd.s32 $0xFFFFF800  }
0x6f: {  	_ =	swait.ge [sflag:s0], $0x800  }
0x70: {  	[sflag:s0] =	ssyncset.done $0x0  }
0x71: {  	s17 =	simm.s32 $0x0;
	[sflag:s0] =	ssyncadd.s32 $0xFFFFF800  }
0x72: {  	v1 =	vld [tilespmem:s17+$0x1B800]  }
0x73: {  	v2 =	vld [tilespmem:s17+$0x1C000];
	_ =	sdelay $0x4  }
0x74: {  	v1 =	vadd.f32 v2, v1;
	_ =	sdelay $0x1  }
0x75: {  	s18 =	simm.s32 $0x10;
	v2 =	vmul.f32 $2.000000030e-01, v1  }
0x76: {  	v3 =	vld [tilespmem:s18+$0x1B800]  }
0x77: {  	v4 =	vld [tilespmem:s18+$0x1C000];
	v1 =	vmax.f32 v1, v2  }
0x78: {  	s21 =	simm.s32 $0x20;
	v1 =	vmul.f32 $1.442695020e+00, v1  }
0x79: {  	v2 =	vld [tilespmem:s21+$0x1B800]  }
0x7a: {  	(erf) = vpow2.f32 v1;
	v1 =	vld [tilespmem:s21+$0x1C000];
	_ =	sdelay $0x1  }
0x7b: {  	v3 =	vadd.f32 v4, v3;
	_ =	sdelay $0x1  }
0x7c: {  	v4 =	vmul.f32 $2.000000030e-01, v3  }
0x7d: {  	v5 =	vadd.f32 v1, v2  }
0x7e: {  	v1 =	vmax.f32 v3, v4  }
0x7f: {  	s19 =	simm.s32 $0x30;
	v2 =	vmul.f32 $1.442695020e+00, v1;
	v3 =	vmul.f32 $2.000000030e-01, v5  }
0x80: {  	v1 =	vld [tilespmem:s19+$0x1B800]  }
0x81: {  	(erf) = vpow2.f32 v2;
	v2 =	vld [tilespmem:s19+$0x1C000];
	_ =	sdelay $0x1  }
0x82: {  	s22 =	simm.s32 $0x100;
	v4 =	vmax.f32 v5, v3;
	v3 =	vpop (erf)  }
.LBB2_6:
0x83: {  	s23 =	sshra.s32 s22, $0x2  }
0x84: {  	v4 =	vmul.f32 $1.442695020e+00, v4;
	[tilespmem:s17+$0x1C800] =	vst v3;
	s17 =	smov.u32 s18;
	s18 =	smov.u32 s21;
	p0 =	sne.s32 s22, $0x1FC0  }
.Ltmp1:
0x85: {  	s22 =	sadd.s32 $0x40, s22;
	v3 =	vadd.f32 v2, v1;
	v1 =	vld [tilespmem:s23+$0x1B800];
	(pc) =	sbr.rel @p0 .LBB2_6-.Ltmp1, $3  }
0x86: {  	s21 =	smov.u32 s19;
	s19 =	smov.u32 s23;
	v2 =	vld [tilespmem:s23+$0x1C000];
	(erf) = vpow2.f32 v4  }
0x87: {  	v4 =	vmul.f32 $2.000000030e-01, v3;
	_ =	sdelay $0x1  }
0x88: {  	v4 =	vmax.f32 v3, v4;
	v3 =	vpop (erf)  }
0x89: {  	_ = 	snop  }
0x8a: {  	v1 =	vadd.f32 v2, v1;
	_ =	sdelay $0x1  }
0x8b: {  	v2 =	vmul.f32 $2.000000030e-01, v1;
	_ =	sdelay $0x1  }
0x8c: {  	v4 =	vmul.f32 $1.442695020e+00, v4;
	v1 =	vmax.f32 v1, v2  }
0x8d: {  	v1 =	vmul.f32 $1.442695020e+00, v1  }
0x8e: {  	(erf) = vpow2.f32 v4  }
0x8f: {  	(erf) = vpow2.f32 v1;
	_ =	sdelay $0x6  }
0x90: {  	[tilespmem:s17+$0x1C800] =	vst v3;
	v1 =	vpop (erf)  }
0x91: {  	[tilespmem:s18+$0x1C800] =	vst v1;
	v1 =	vpop (erf)  }
0x92: {  	[tilespmem:s21+$0x1C800] =	vst v1;
	v1 =	vpop (erf)  }
0x93: {  	[tilespmem:s19+$0x1C800] =	vst v1  }
0x94: {  	_ =	swait.ge [sflag:s12], $0x4000  }
0x95: {  	[sflag:s12] =	ssyncset.done $0x0  }
0x96: {  	s17 =	simm.s32 $0x17840;
	[sflag:s12] =	ssyncadd.s32 $0xFFFFC000  }
0x97: {  	s18 =	simm.s32 $0x17840;
	s21 =	simm.s32 $0x0;
	s19 =	simm.s32 $0x40;
	v1 =	vld [tilespmem:s17+$0xFFFFFFF0]  }
.LBB2_8:
0x98: {  	p0 =	sne.s32 s19, $0x1FC0;
	v2 =	vld [tilespmem:s21+$0x1C800]  }
0x99: {  	v3 =	vld [tilespmem:s17+$0xFFFFFFD0]  }
0x9a: {  	v4 =	vld [tilespmem:s17+$0xFFFFFFC0]  }
0x9b: {  	v5 =	vld [tilespmem:s17+$0xFFFFFFE0]  }
0x9c: {  	v6 =	vld [tilespmem:s17+$0x30]  }
0x9d: {  	v7 =	vbroadcast v2, $0x0;
	v8 =	vbroadcast v2, $0x1;
	v9 =	vld [tilespmem:s17+$0x10]  }
0x9e: {  	v10 =	vbroadcast v2, $0x2;
	v11 =	vbroadcast v2, $0x3;
	v12 =	vld [tilespmem:s17+$0x0]  }
0x9f: {  	v4 =	vmul.f32 v7, v4;
	v3 =	vmul.f32 v3, v8;
	v7 =	vld [tilespmem:s17+$0x20]  }
0xa0: {  	v1 =	vmul.f32 v1, v11;
	v5 =	vmul.f32 v5, v10  }
0xa1: {  	v8 =	vbroadcast v2, $0x5;
	[tilespmem:s17+$0xFFFFFFC0] =	vst v4;
	v4 =	vbroadcast v2, $0x4  }
0xa2: {  	[tilespmem:s17+$0xFFFFFFD0] =	vst v3;
	v3 =	vbroadcast v2, $0x6;
	v2 =	vbroadcast v2, $0x7  }
0xa3: {  	[tilespmem:s17+$0xFFFFFFE0] =	vst v5;
	v4 =	vmul.f32 v12, v4;
	v5 =	vmul.f32 v9, v8  }
.Ltmp2:
0xa4: {  	[tilespmem:s17+$0xFFFFFFF0] =	vst v1;
	v1 =	vmul.f32 v7, v3;
	v2 =	vmul.f32 v6, v2;
	(pc) =	sbr.rel @p0 .LBB2_8-.Ltmp2, $4  }
0xa5: {  	[tilespmem:s17+$0x0] =	vst v4  }
0xa6: {  	[tilespmem:s17+$0x10] =	vst v5  }
0xa7: {  	s17 =	sadd.s32 $0x80, s17;
	[tilespmem:s18+$0x20] =	vst v1  }
0xa8: {  	s21 =	sshra.s32 s19, $0x2;
	s19 =	sadd.s32 $0x40, s19;
	v1 =	vld [tilespmem:s17+$0xFFFFFFF0];
	[tilespmem:s18+$0x30] =	vst v2;
	s18 =	smov.u32 s17  }
0xa9: {  	v2 =	vld [tilespmem:s21+$0x1C800];
	_ =	sdelay $0x1  }
0xaa: {  	v3 =	vld [tilespmem:s17+$0xFFFFFFC0]  }
0xab: {  	v4 =	vld [tilespmem:s17+$0xFFFFFFD0]  }
0xac: {  	v5 =	vld [tilespmem:s17+$0xFFFFFFE0]  }
0xad: {  	v6 =	vbroadcast v2, $0x0  }
0xae: {  	v9 =	vld [tilespmem:s17+$0x10];
	v7 =	vbroadcast v2, $0x1  }
0xaf: {  	v8 =	vld [tilespmem:s17+$0x0];
	v10 =	vbroadcast v2, $0x2;
	v3 =	vmul.f32 v6, v3  }
0xb0: {  	v60 =	vld [tilespmem:s17+$0x20];
	v59 =	vbroadcast v2, $0x3;
	v4 =	vmul.f32 v4, v7  }
0xb1: {  	v11 =	vld [tilespmem:s17+$0x30];
	v61 =	vbroadcast v2, $0x5;
	v5 =	vmul.f32 v5, v10;
	[tilespmem:s17+$0xFFFFFFC0] =	vst v3  }
0xb2: {  	v1 =	vmul.f32 v1, v59;
	v3 =	vbroadcast v2, $0x4;
	[tilespmem:s17+$0xFFFFFFD0] =	vst v4  }
0xb3: {  	v62 =	vbroadcast v2, $0x6;
	v63 =	vmul.f32 v9, v61;
	[tilespmem:s17+$0xFFFFFFE0] =	vst v5  }
0xb4: {  	v2 =	vbroadcast v2, $0x7;
	[tilespmem:s17+$0xFFFFFFF0] =	vst v1;
	v3 =	vmul.f32 v8, v3  }
0xb5: {  	v1 =	vmul.f32 v60, v62;
	[tilespmem:s17+$0x10] =	vst v63  }
0xb6: {  	v2 =	vmul.f32 v11, v2;
	[tilespmem:s17+$0x0] =	vst v3  }
0xb7: {  	[tilespmem:s18+$0x20] =	vst v1  }
0xb8: {  	[tilespmem:s18+$0x30] =	vst v2  }
0xb9: {  	[spmem:s3] =	stream.indirect.scatter.add.f32 [tilespmem:s24], [sflag:$0x3], $0x80, s16, s30, $0xb8;
	[tilespmem:$0x1D000] =	vst v63  }
0xba: {  	s15 =	sadd.s32 $0x1, s15;
	_ =	swait.ge [sflag:s25], $0x4000  }
0xbb: {  	p0 =	sne.s32 s15, $0x10;
	[sflag:s25] =	ssyncset.done $0x0  }
.Ltmp3:
0xbc: {  	[sflag:s25] =	ssyncadd.s32 $0xFFFFC000;
	(pc) =	sbr.rel @p0 .LBB2_5-.Ltmp3, $4  }
0xbd: {  	[spmem:s4] =	stream.indirect.scatter.add.f32 [tilespmem:s26], [sflag:$0x3], $0x10, s16, s30, $0xb8;
	[tilespmem:$0x1D000] =	vst v63  }
0xbe: {  	_ =	swait.ge [sflag:s25], $0x800  }
0xbf: {  	[sflag:s25] =	ssyncset.done $0x0  }
0xc0: {  	[sflag:s25] =	ssyncadd.s32 $0xFFFFF800  }
0xc1: {  	s14 =	sadd.s32 $0x1, s14  }
0xc2: {  	p0 =	sne.s32 s14, $0x5  }
.Ltmp4:
0xc3: {  	_ = 	snop;
	(pc) =	sbr.rel @p0 .LBB2_4-.Ltmp4, $1  }
0xc4: {  	_ =	sdelay $0x3  }
0xc5: {  	s13 =	stileid.u32  }
0xc6: {  	[bflag:$0x0] =	sbarrier.arrive $0xFFFF;
	s13 =	sshll.u32 s13, $0x6  }
0xc7: {  	s14 =	sshrl.u32 s10, $0x3;
	s15 =	rddreg [dreg:$0xd];
	s13 =	sor.u32 $0x1C03, s13  }
0xc8: {  	[hbm:s15], [sflag:s13] =	dma.local [spmem:s14], $0x2800  }
0xc9: {  	_ =	swait.ge [sflag:s25], $0x2800  }
0xca: {  	[sflag:s25] =	ssyncset.done $0x0  }
0xcb: {  	s21 =	sshrl.u32 s11, $0x3;
	s22 =	rddreg [dreg:$0xe];
	[sflag:s25] =	ssyncadd.s32 $0xFFFFD800  }
0xcc: {  	[hbm:s22], [sflag:s13] =	dma.local [spmem:s21], $0x500  }
0xcd: {  	_ =	swait.ge [sflag:s25], $0x500  }
0xce: {  	s5 =	sadd.s32 $0x1, s5;
	s23 =	rddreg [dreg:$0xf]  }
0xcf: {  	p0 =	sne.s32 s5, s23  }
.Ltmp5:
0xd0: {  	_ = 	snop;
	(pc) =	sbr.rel @p0 .LBB2_1-.Ltmp5, $3  }
0xd1: {  	_ =	sdelay $0x1  }
0xd2: {  	[sflag:s25] =	ssyncset.done $0x0  }
0xd3: {  	[sflag:s25] =	ssyncadd.s32 $0xFFFFFB00  }
0xd4: {  	_ =	sfence.sel $0x180000  }
0xd5: {  	[bflag:$0x0] =	sbarrier.arrive $0xFFFF  }
0xd6: {  	_ =	strace $0x90000047  }
0xd7: {  	s0 =	stileid.u32;
	[bflag:$0x2] =	sbarrier.arrive $0xFFFF  }
0xd8: {  	p0 =	sne.s32 s0, $0x0;
	s0 =	rddreg [dreg:$0x4]  }
0xd9: {  	s0 =	sadd.s32 @!p0 $0x100000, s0  }
0xda: {  	[sflag:s0] =	ssyncadd.tile.s32 @!p0 $0x1;
	_ =	shalt  }
.Lfunc_end2:
_tile_overlayer_lowered:
.L_overlay_start_2:
0xdb: {  	(tag) =	ssettag $0x2  }
0xdc: {  	s0 =	rddreg [dreg:$0x0];
	s2 =	stileid.u32  }
0xdd: {  	s1 =	rddreg [dreg:$0x1];
	p0 =	sne.s32 s2, $0x0  }
0xde: {  	s3 =	rddreg [dreg:$0x2];
	[bflag:$0x3] =	sbarrier.arrive $0xFFFF;
	s2 =	simm.s32 @!p0 $0x1C03  }
0xdf: {  	[timem:s3], [sflag:s2] =	dma.local @!p0 [hbm:s0], s1  }
0xe0: {  	s0 =	simm.s32 @!p0 $0x3  }
0xe1: {  	_ =	swait.ge @!p0 [sflag:s0], s1  }
0xe2: {  	s1 =	ssub.s32 @!p0 $0x0, s1;
	[sflag:s0] =	ssyncset.done @!p0 $0x0  }
0xe3: {  	[sflag:s0] =	ssyncadd.s32 @!p0 s1  }
0xe4: {  	[bflag:$0x3] =	sbarrier.arrive $0xFFFF  }
0xe5: {  	_ =	shalt  }

</sc_bundles>
